<compile_context>
chip_gen: v7x
topology: tpu7x:2x2x1
jax: 0.10.2.dev20260603
libtpu: 0.0.44.dev20260713+nightly
codegen_flags: <defaults>
</compile_context>

<pallas_src>
import functools

import jax
import jax.numpy as jnp
from jax import lax
from jax.experimental import pallas as pl
from jax.experimental.pallas import tpu as pltpu
from jax.experimental.pallas import tpu_sc as plsc

NC = 2
NS = 16
NW = NC * NS
L = 16

_MESH = dict(core_axis_name="c", subcore_axis_name="s", num_cores=NC)


def _gather_call(V, D, J, B, NBUF, GD):
    CH = B // NW
    n_ch = J
    WD = NBUF - GD
    assert 1 <= GD < NBUF and n_ch % NBUF == 0
    n_outer = n_ch // NBUF
    assert n_outer >= 2

    scratch = (
        [pltpu.VMEM((CH,), jnp.int32) for _ in range(NBUF)]
        + [pltpu.VMEM((CH, D), jnp.float32) for _ in range(NBUF)]
        + [pltpu.SemaphoreType.DMA for _ in range(2 * NBUF)]
    )

    @functools.partial(
        pl.kernel,
        out_type=jax.ShapeDtypeStruct((J * B, D), jnp.float32),
        mesh=plsc.VectorSubcoreMesh(**_MESH),
        scratch_types=scratch,
        compiler_params=pltpu.CompilerParams(use_tc_tiling_on_sc=False),
    )
    def gather_kernel(table_hbm, idx_hbm, out_hbm, *refs):
        idx_v = refs[0:NBUF]
        rows_v = refs[NBUF:2 * NBUF]
        sem_g = refs[2 * NBUF:3 * NBUF]
        sem_w = refs[3 * NBUF:4 * NBUF]
        wid = lax.axis_index("s") * NC + lax.axis_index("c")
        boff = wid * CH

        def start_gather(c, b):
            pltpu.sync_copy(idx_hbm.at[c, pl.ds(boff, CH)], idx_v[b])
            pltpu.async_copy(table_hbm.at[idx_v[b]], rows_v[b], sem_g[b])

        def wait_gather(b):
            pltpu.make_async_copy(table_hbm.at[idx_v[b]], rows_v[b],
                                  sem_g[b]).wait()

        def start_wb(c, b):
            pltpu.async_copy(rows_v[b], out_hbm.at[pl.ds(c * B + boff, CH)],
                             sem_w[b])

        def wait_wb(b):
            pltpu.make_async_copy(rows_v[b], out_hbm.at[pl.ds(boff, CH)],
                                  sem_w[b]).wait()

        def step(r, b, do_input, do_waitwb):
            ib = (b + GD) % NBUF
            if do_input:
                if do_waitwb:
                    wait_wb(ib)
                start_gather(r + GD, ib)
            wait_gather(b)
            start_wb(r, b)

        for c in range(GD):
            start_gather(c, c)
        for b in range(NBUF):
            step(b, b, True, b >= WD)

        def outer(o, carry):
            r0 = o * NBUF
            for b in range(NBUF):
                step(r0 + b, b, True, True)
            return carry

        lax.fori_loop(1, n_outer - 1, outer, 0)

        r0 = (n_outer - 1) * NBUF
        for b in range(NBUF):
            step(r0 + b, b, b < WD, True)
        for b in range(NBUF):
            wait_wb(b)

    return gather_kernel


def kernel(weight, nodes):
    V, D = weight.shape
    Bt, J = nodes.shape
    nodes_t = jnp.transpose(nodes)
    out2d = _gather_call(V, D, J, Bt, NBUF=5, GD=2)(weight, nodes_t)
    out_t = out2d.reshape(J, Bt, D)
    return jnp.transpose(out_t, (1, 0, 2))

# --- scband reference (transcript-rebuilt; emitter-appended) ---
"""Pipeline reference for scband-my-feature-72980084293973 (READ-ONLY COPY).

The authoritative reference and input builder live on the scoring server;
editing this copy changes nothing except your own understanding.
"""

import jax, jax.numpy as jnp
import numpy as np

VOCAB = 1000000
EMBED_DIM = 32
BATCH = 16384
HIST_LEN = 50


def setup_inputs(seed: int = 0) -> dict:
    key = jax.random.key(seed)
    k1, k2 = jax.random.split(key)
    weight = jax.random.normal(k1, (VOCAB, EMBED_DIM), dtype=jnp.float32)
    nodes = jax.random.randint(k2, (BATCH, HIST_LEN), 0, VOCAB, dtype=jnp.int64 if jax.config.jax_enable_x64 else jnp.int32)
    return {"weight": weight, "nodes": nodes}


def reference(weight, nodes):
    # Faithful translation of MyFeature.forward: self.weight[nodes]
    return jnp.take(weight, nodes, axis=0)

if __name__ == "__main__":
    import jax
    _d = setup_inputs()
    print(jax.jit(kernel)(*tuple(_d.values())))

</pallas_src>

<mosaic_0001>
#map = affine_map<(d0, d1) -> (0, 0)>
module attributes {stable_mosaic.version = 14 : i64} {
  func.func @gather_kernel(%arg0: i32, %arg1: i32, %arg2: memref<1000000x32xf32, #tpu.memory_space<hbm>>, %arg3: memref<50x16384xi32, #tpu.memory_space<hbm>>, %arg4: memref<819200x32xf32, #tpu.memory_space<hbm>>, %arg5: memref<512xi32, #tpu.memory_space<vmem>>, %arg6: memref<512xi32, #tpu.memory_space<vmem>>, %arg7: memref<512xi32, #tpu.memory_space<vmem>>, %arg8: memref<512xi32, #tpu.memory_space<vmem>>, %arg9: memref<512xi32, #tpu.memory_space<vmem>>, %arg10: memref<512x32xf32, #tpu.memory_space<vmem>>, %arg11: memref<512x32xf32, #tpu.memory_space<vmem>>, %arg12: memref<512x32xf32, #tpu.memory_space<vmem>>, %arg13: memref<512x32xf32, #tpu.memory_space<vmem>>, %arg14: memref<512x32xf32, #tpu.memory_space<vmem>>, %arg15: memref<!tpu.dma_semaphore, #tpu.memory_space<semaphore_mem>>, %arg16: memref<!tpu.dma_semaphore, #tpu.memory_space<semaphore_mem>>, %arg17: memref<!tpu.dma_semaphore, #tpu.memory_space<semaphore_mem>>, %arg18: memref<!tpu.dma_semaphore, #tpu.memory_space<semaphore_mem>>, %arg19: memref<!tpu.dma_semaphore, #tpu.memory_space<semaphore_mem>>, %arg20: memref<!tpu.dma_semaphore, #tpu.memory_space<semaphore_mem>>, %arg21: memref<!tpu.dma_semaphore, #tpu.memory_space<semaphore_mem>>, %arg22: memref<!tpu.dma_semaphore, #tpu.memory_space<semaphore_mem>>, %arg23: memref<!tpu.dma_semaphore, #tpu.memory_space<semaphore_mem>>, %arg24: memref<!tpu.dma_semaphore, #tpu.memory_space<semaphore_mem>>) attributes {dimension_semantics = [#tpu.dimension_semantics<core_parallel>, #tpu.dimension_semantics<subcore_parallel>], iteration_bounds = array<i64: 2, 16>, scalar_prefetch = 0 : i64, scratch_operands = 20 : i64, tpu.core_type = #tpu.core_type<sc_vector_subcore>, window_params = [{transform_indices = #map}, {transform_indices = #map}, {transform_indices = #map}]} {
    %mul3A = arith.constant 2 : i32
    %mul3A_0 = arith.muli %arg1, %mul3A : i32
    %add3A = arith.addi %mul3A_0, %arg0 : i32
    %mul3A_1 = arith.constant 512 : i32
    %mul3A_2 = arith.muli %add3A, %mul3A_1 : i32
    %run_scoped3A = arith.constant 0 : i32
    "tpu.region"() ({
      %run_scoped3A_175 = tpu.sem_alloc : memref<!tpu.dma_semaphore, #tpu.memory_space<semaphore_mem>>
      %dma_start3A_176 = tpu.memref_slice %arg3[%run_scoped3A, %mul3A_2] : memref<50x16384xi32, #tpu.memory_space<hbm>> -> memref<1x512xi32, #tpu.memory_space<hbm>>
      %dma_start3A_177 = tpu.memref_squeeze %dma_start3A_176 : memref<1x512xi32, #tpu.memory_space<hbm>> -> memref<512xi32, #tpu.memory_space<hbm>>
      %dma_start3A_178 = tpu.memref_slice %arg3[%run_scoped3A, %mul3A_2] : memref<50x16384xi32, #tpu.memory_space<hbm>> -> memref<1x512xi32, #tpu.memory_space<hbm>>
      %dma_start3A_179 = tpu.memref_squeeze %dma_start3A_178 : memref<1x512xi32, #tpu.memory_space<hbm>> -> memref<512xi32, #tpu.memory_space<hbm>>
      tpu.enqueue_dma source(%dma_start3A_179 : memref<512xi32, #tpu.memory_space<hbm>>) target(%arg5 : memref<512xi32, #tpu.memory_space<vmem>>) target_semaphore(%run_scoped3A_175 : memref<!tpu.dma_semaphore, #tpu.memory_space<semaphore_mem>>)
      %dma_wait3A_180 = tpu.memref_slice %arg3[%run_scoped3A, %mul3A_2] : memref<50x16384xi32, #tpu.memory_space<hbm>> -> memref<1x512xi32, #tpu.memory_space<hbm>>
      %dma_wait3A_181 = tpu.memref_squeeze %dma_wait3A_180 : memref<1x512xi32, #tpu.memory_space<hbm>> -> memref<512xi32, #tpu.memory_space<hbm>>
      %dma_wait3A_182 = tpu.memref_slice %arg3[%run_scoped3A, %mul3A_2] : memref<50x16384xi32, #tpu.memory_space<hbm>> -> memref<1x512xi32, #tpu.memory_space<hbm>>
      %dma_wait3A_183 = tpu.memref_squeeze %dma_wait3A_182 : memref<1x512xi32, #tpu.memory_space<hbm>> -> memref<512xi32, #tpu.memory_space<hbm>>
      tpu.wait_dma2 semaphore(%run_scoped3A_175 : memref<!tpu.dma_semaphore, #tpu.memory_space<semaphore_mem>>) src(%dma_wait3A_183 : memref<512xi32, #tpu.memory_space<hbm>>) dst(%arg5 : memref<512xi32, #tpu.memory_space<vmem>>)
      tpu.yield
    }) : () -> ()
    %dma_start3A = arith.constant 0 : i32
    %dma_start3A_3 = arith.constant 0 : i32
    %dma_start3A_4 = tpu.memref_slice %arg2[%dma_start3A, %dma_start3A_3] : memref<1000000x32xf32, #tpu.memory_space<hbm>> -> memref<1000000x32xf32, #tpu.memory_space<hbm>>
    tpu.enqueue_indirect_dma source(%dma_start3A_4 : memref<1000000x32xf32, #tpu.memory_space<hbm>>) target(%arg10 : memref<512x32xf32, #tpu.memory_space<vmem>>) offsets(%arg5 : memref<512xi32, #tpu.memory_space<vmem>>) semaphore(%arg15 : memref<!tpu.dma_semaphore, #tpu.memory_space<semaphore_mem>>)
    %run_scoped3A_5 = arith.constant 1 : i32
    "tpu.region"() ({
      %run_scoped3A_175 = tpu.sem_alloc : memref<!tpu.dma_semaphore, #tpu.memory_space<semaphore_mem>>
      %dma_start3A_176 = tpu.memref_slice %arg3[%run_scoped3A_5, %mul3A_2] : memref<50x16384xi32, #tpu.memory_space<hbm>> -> memref<1x512xi32, #tpu.memory_space<hbm>>
      %dma_start3A_177 = tpu.memref_squeeze %dma_start3A_176 : memref<1x512xi32, #tpu.memory_space<hbm>> -> memref<512xi32, #tpu.memory_space<hbm>>
      %dma_start3A_178 = tpu.memref_slice %arg3[%run_scoped3A_5, %mul3A_2] : memref<50x16384xi32, #tpu.memory_space<hbm>> -> memref<1x512xi32, #tpu.memory_space<hbm>>
      %dma_start3A_179 = tpu.memref_squeeze %dma_start3A_178 : memref<1x512xi32, #tpu.memory_space<hbm>> -> memref<512xi32, #tpu.memory_space<hbm>>
      tpu.enqueue_dma source(%dma_start3A_179 : memref<512xi32, #tpu.memory_space<hbm>>) target(%arg6 : memref<512xi32, #tpu.memory_space<vmem>>) target_semaphore(%run_scoped3A_175 : memref<!tpu.dma_semaphore, #tpu.memory_space<semaphore_mem>>)
      %dma_wait3A_180 = tpu.memref_slice %arg3[%run_scoped3A_5, %mul3A_2] : memref<50x16384xi32, #tpu.memory_space<hbm>> -> memref<1x512xi32, #tpu.memory_space<hbm>>
      %dma_wait3A_181 = tpu.memref_squeeze %dma_wait3A_180 : memref<1x512xi32, #tpu.memory_space<hbm>> -> memref<512xi32, #tpu.memory_space<hbm>>
      %dma_wait3A_182 = tpu.memref_slice %arg3[%run_scoped3A_5, %mul3A_2] : memref<50x16384xi32, #tpu.memory_space<hbm>> -> memref<1x512xi32, #tpu.memory_space<hbm>>
      %dma_wait3A_183 = tpu.memref_squeeze %dma_wait3A_182 : memref<1x512xi32, #tpu.memory_space<hbm>> -> memref<512xi32, #tpu.memory_space<hbm>>
      tpu.wait_dma2 semaphore(%run_scoped3A_175 : memref<!tpu.dma_semaphore, #tpu.memory_space<semaphore_mem>>) src(%dma_wait3A_183 : memref<512xi32, #tpu.memory_space<hbm>>) dst(%arg6 : memref<512xi32, #tpu.memory_space<vmem>>)
      tpu.yield
    }) : () -> ()
    %dma_start3A_6 = arith.constant 0 : i32
    %dma_start3A_7 = arith.constant 0 : i32
    %dma_start3A_8 = tpu.memref_slice %arg2[%dma_start3A_6, %dma_start3A_7] : memref<1000000x32xf32, #tpu.memory_space<hbm>> -> memref<1000000x32xf32, #tpu.memory_space<hbm>>
    tpu.enqueue_indirect_dma source(%dma_start3A_8 : memref<1000000x32xf32, #tpu.memory_space<hbm>>) target(%arg11 : memref<512x32xf32, #tpu.memory_space<vmem>>) offsets(%arg6 : memref<512xi32, #tpu.memory_space<vmem>>) semaphore(%arg16 : memref<!tpu.dma_semaphore, #tpu.memory_space<semaphore_mem>>)
    %run_scoped3A_9 = arith.constant 2 : i32
    "tpu.region"() ({
      %run_scoped3A_175 = tpu.sem_alloc : memref<!tpu.dma_semaphore, #tpu.memory_space<semaphore_mem>>
      %dma_start3A_176 = tpu.memref_slice %arg3[%run_scoped3A_9, %mul3A_2] : memref<50x16384xi32, #tpu.memory_space<hbm>> -> memref<1x512xi32, #tpu.memory_space<hbm>>
      %dma_start3A_177 = tpu.memref_squeeze %dma_start3A_176 : memref<1x512xi32, #tpu.memory_space<hbm>> -> memref<512xi32, #tpu.memory_space<hbm>>
      %dma_start3A_178 = tpu.memref_slice %arg3[%run_scoped3A_9, %mul3A_2] : memref<50x16384xi32, #tpu.memory_space<hbm>> -> memref<1x512xi32, #tpu.memory_space<hbm>>
      %dma_start3A_179 = tpu.memref_squeeze %dma_start3A_178 : memref<1x512xi32, #tpu.memory_space<hbm>> -> memref<512xi32, #tpu.memory_space<hbm>>
      tpu.enqueue_dma source(%dma_start3A_179 : memref<512xi32, #tpu.memory_space<hbm>>) target(%arg7 : memref<512xi32, #tpu.memory_space<vmem>>) target_semaphore(%run_scoped3A_175 : memref<!tpu.dma_semaphore, #tpu.memory_space<semaphore_mem>>)
      %dma_wait3A_180 = tpu.memref_slice %arg3[%run_scoped3A_9, %mul3A_2] : memref<50x16384xi32, #tpu.memory_space<hbm>> -> memref<1x512xi32, #tpu.memory_space<hbm>>
      %dma_wait3A_181 = tpu.memref_squeeze %dma_wait3A_180 : memref<1x512xi32, #tpu.memory_space<hbm>> -> memref<512xi32, #tpu.memory_space<hbm>>
      %dma_wait3A_182 = tpu.memref_slice %arg3[%run_scoped3A_9, %mul3A_2] : memref<50x16384xi32, #tpu.memory_space<hbm>> -> memref<1x512xi32, #tpu.memory_space<hbm>>
      %dma_wait3A_183 = tpu.memref_squeeze %dma_wait3A_182 : memref<1x512xi32, #tpu.memory_space<hbm>> -> memref<512xi32, #tpu.memory_space<hbm>>
      tpu.wait_dma2 semaphore(%run_scoped3A_175 : memref<!tpu.dma_semaphore, #tpu.memory_space<semaphore_mem>>) src(%dma_wait3A_183 : memref<512xi32, #tpu.memory_space<hbm>>) dst(%arg7 : memref<512xi32, #tpu.memory_space<vmem>>)
      tpu.yield
    }) : () -> ()
    %dma_start3A_10 = arith.constant 0 : i32
    %dma_start3A_11 = arith.constant 0 : i32
    %dma_start3A_12 = tpu.memref_slice %arg2[%dma_start3A_10, %dma_start3A_11] : memref<1000000x32xf32, #tpu.memory_space<hbm>> -> memref<1000000x32xf32, #tpu.memory_space<hbm>>
    tpu.enqueue_indirect_dma source(%dma_start3A_12 : memref<1000000x32xf32, #tpu.memory_space<hbm>>) target(%arg12 : memref<512x32xf32, #tpu.memory_space<vmem>>) offsets(%arg7 : memref<512xi32, #tpu.memory_space<vmem>>) semaphore(%arg17 : memref<!tpu.dma_semaphore, #tpu.memory_space<semaphore_mem>>)
    %dma_wait3A = arith.constant 0 : i32
    %dma_wait3A_13 = arith.constant 0 : i32
    %dma_wait3A_14 = tpu.memref_slice %arg2[%dma_wait3A, %dma_wait3A_13] : memref<1000000x32xf32, #tpu.memory_space<hbm>> -> memref<1000000x32xf32, #tpu.memory_space<hbm>>
    tpu.wait_indirect_dma semaphore(%arg15 : memref<!tpu.dma_semaphore, #tpu.memory_space<semaphore_mem>>) src(%dma_wait3A_14 : memref<1000000x32xf32, #tpu.memory_space<hbm>>) dst(%arg10 : memref<512x32xf32, #tpu.memory_space<vmem>>)
    %add3A_15 = arith.constant 0 : i32
    %add3A_16 = arith.addi %add3A_15, %mul3A_2 : i32
    %dma_start3A_17 = arith.constant 0 : i32
    %dma_start3A_18 = tpu.memref_slice %arg4[%add3A_16, %dma_start3A_17] : memref<819200x32xf32, #tpu.memory_space<hbm>> -> memref<512x32xf32, #tpu.memory_space<hbm>>
    %dma_start3A_19 = arith.constant 0 : i32
    %dma_start3A_20 = tpu.memref_slice %arg4[%add3A_16, %dma_start3A_19] : memref<819200x32xf32, #tpu.memory_space<hbm>> -> memref<512x32xf32, #tpu.memory_space<hbm>>
    tpu.enqueue_dma source(%arg10 : memref<512x32xf32, #tpu.memory_space<vmem>>) target(%dma_start3A_20 : memref<512x32xf32, #tpu.memory_space<hbm>>) target_semaphore(%arg20 : memref<!tpu.dma_semaphore, #tpu.memory_space<semaphore_mem>>)
    %run_scoped3A_21 = arith.constant 3 : i32
    "tpu.region"() ({
      %run_scoped3A_175 = tpu.sem_alloc : memref<!tpu.dma_semaphore, #tpu.memory_space<semaphore_mem>>
      %dma_start3A_176 = tpu.memref_slice %arg3[%run_scoped3A_21, %mul3A_2] : memref<50x16384xi32, #tpu.memory_space<hbm>> -> memref<1x512xi32, #tpu.memory_space<hbm>>
      %dma_start3A_177 = tpu.memref_squeeze %dma_start3A_176 : memref<1x512xi32, #tpu.memory_space<hbm>> -> memref<512xi32, #tpu.memory_space<hbm>>
      %dma_start3A_178 = tpu.memref_slice %arg3[%run_scoped3A_21, %mul3A_2] : memref<50x16384xi32, #tpu.memory_space<hbm>> -> memref<1x512xi32, #tpu.memory_space<hbm>>
      %dma_start3A_179 = tpu.memref_squeeze %dma_start3A_178 : memref<1x512xi32, #tpu.memory_space<hbm>> -> memref<512xi32, #tpu.memory_space<hbm>>
      tpu.enqueue_dma source(%dma_start3A_179 : memref<512xi32, #tpu.memory_space<hbm>>) target(%arg8 : memref<512xi32, #tpu.memory_space<vmem>>) target_semaphore(%run_scoped3A_175 : memref<!tpu.dma_semaphore, #tpu.memory_space<semaphore_mem>>)
      %dma_wait3A_180 = tpu.memref_slice %arg3[%run_scoped3A_21, %mul3A_2] : memref<50x16384xi32, #tpu.memory_space<hbm>> -> memref<1x512xi32, #tpu.memory_space<hbm>>
      %dma_wait3A_181 = tpu.memref_squeeze %dma_wait3A_180 : memref<1x512xi32, #tpu.memory_space<hbm>> -> memref<512xi32, #tpu.memory_space<hbm>>
      %dma_wait3A_182 = tpu.memref_slice %arg3[%run_scoped3A_21, %mul3A_2] : memref<50x16384xi32, #tpu.memory_space<hbm>> -> memref<1x512xi32, #tpu.memory_space<hbm>>
      %dma_wait3A_183 = tpu.memref_squeeze %dma_wait3A_182 : memref<1x512xi32, #tpu.memory_space<hbm>> -> memref<512xi32, #tpu.memory_space<hbm>>
      tpu.wait_dma2 semaphore(%run_scoped3A_175 : memref<!tpu.dma_semaphore, #tpu.memory_space<semaphore_mem>>) src(%dma_wait3A_183 : memref<512xi32, #tpu.memory_space<hbm>>) dst(%arg8 : memref<512xi32, #tpu.memory_space<vmem>>)
      tpu.yield
    }) : () -> ()
    %dma_start3A_22 = arith.constant 0 : i32
    %dma_start3A_23 = arith.constant 0 : i32
    %dma_start3A_24 = tpu.memref_slice %arg2[%dma_start3A_22, %dma_start3A_23] : memref<1000000x32xf32, #tpu.memory_space<hbm>> -> memref<1000000x32xf32, #tpu.memory_space<hbm>>
    tpu.enqueue_indirect_dma source(%dma_start3A_24 : memref<1000000x32xf32, #tpu.memory_space<hbm>>) target(%arg13 : memref<512x32xf32, #tpu.memory_space<vmem>>) offsets(%arg8 : memref<512xi32, #tpu.memory_space<vmem>>) semaphore(%arg18 : memref<!tpu.dma_semaphore, #tpu.memory_space<semaphore_mem>>)
    %dma_wait3A_25 = arith.constant 0 : i32
    %dma_wait3A_26 = arith.constant 0 : i32
    %dma_wait3A_27 = tpu.memref_slice %arg2[%dma_wait3A_25, %dma_wait3A_26] : memref<1000000x32xf32, #tpu.memory_space<hbm>> -> memref<1000000x32xf32, #tpu.memory_space<hbm>>
    tpu.wait_indirect_dma semaphore(%arg16 : memref<!tpu.dma_semaphore, #tpu.memory_space<semaphore_mem>>) src(%dma_wait3A_27 : memref<1000000x32xf32, #tpu.memory_space<hbm>>) dst(%arg11 : memref<512x32xf32, #tpu.memory_space<vmem>>)
    %add3A_28 = arith.constant 16384 : i32
    %add3A_29 = arith.addi %add3A_28, %mul3A_2 : i32
    %dma_start3A_30 = arith.constant 0 : i32
    %dma_start3A_31 = tpu.memref_slice %arg4[%add3A_29, %dma_start3A_30] : memref<819200x32xf32, #tpu.memory_space<hbm>> -> memref<512x32xf32, #tpu.memory_space<hbm>>
    %dma_start3A_32 = arith.constant 0 : i32
    %dma_start3A_33 = tpu.memref_slice %arg4[%add3A_29, %dma_start3A_32] : memref<819200x32xf32, #tpu.memory_space<hbm>> -> memref<512x32xf32, #tpu.memory_space<hbm>>
    tpu.enqueue_dma source(%arg11 : memref<512x32xf32, #tpu.memory_space<vmem>>) target(%dma_start3A_33 : memref<512x32xf32, #tpu.memory_space<hbm>>) target_semaphore(%arg21 : memref<!tpu.dma_semaphore, #tpu.memory_space<semaphore_mem>>)
    %run_scoped3A_34 = arith.constant 4 : i32
    "tpu.region"() ({
      %run_scoped3A_175 = tpu.sem_alloc : memref<!tpu.dma_semaphore, #tpu.memory_space<semaphore_mem>>
      %dma_start3A_176 = tpu.memref_slice %arg3[%run_scoped3A_34, %mul3A_2] : memref<50x16384xi32, #tpu.memory_space<hbm>> -> memref<1x512xi32, #tpu.memory_space<hbm>>
      %dma_start3A_177 = tpu.memref_squeeze %dma_start3A_176 : memref<1x512xi32, #tpu.memory_space<hbm>> -> memref<512xi32, #tpu.memory_space<hbm>>
      %dma_start3A_178 = tpu.memref_slice %arg3[%run_scoped3A_34, %mul3A_2] : memref<50x16384xi32, #tpu.memory_space<hbm>> -> memref<1x512xi32, #tpu.memory_space<hbm>>
      %dma_start3A_179 = tpu.memref_squeeze %dma_start3A_178 : memref<1x512xi32, #tpu.memory_space<hbm>> -> memref<512xi32, #tpu.memory_space<hbm>>
      tpu.enqueue_dma source(%dma_start3A_179 : memref<512xi32, #tpu.memory_space<hbm>>) target(%arg9 : memref<512xi32, #tpu.memory_space<vmem>>) target_semaphore(%run_scoped3A_175 : memref<!tpu.dma_semaphore, #tpu.memory_space<semaphore_mem>>)
      %dma_wait3A_180 = tpu.memref_slice %arg3[%run_scoped3A_34, %mul3A_2] : memref<50x16384xi32, #tpu.memory_space<hbm>> -> memref<1x512xi32, #tpu.memory_space<hbm>>
      %dma_wait3A_181 = tpu.memref_squeeze %dma_wait3A_180 : memref<1x512xi32, #tpu.memory_space<hbm>> -> memref<512xi32, #tpu.memory_space<hbm>>
      %dma_wait3A_182 = tpu.memref_slice %arg3[%run_scoped3A_34, %mul3A_2] : memref<50x16384xi32, #tpu.memory_space<hbm>> -> memref<1x512xi32, #tpu.memory_space<hbm>>
      %dma_wait3A_183 = tpu.memref_squeeze %dma_wait3A_182 : memref<1x512xi32, #tpu.memory_space<hbm>> -> memref<512xi32, #tpu.memory_space<hbm>>
      tpu.wait_dma2 semaphore(%run_scoped3A_175 : memref<!tpu.dma_semaphore, #tpu.memory_space<semaphore_mem>>) src(%dma_wait3A_183 : memref<512xi32, #tpu.memory_space<hbm>>) dst(%arg9 : memref<512xi32, #tpu.memory_space<vmem>>)
      tpu.yield
    }) : () -> ()
    %dma_start3A_35 = arith.constant 0 : i32
    %dma_start3A_36 = arith.constant 0 : i32
    %dma_start3A_37 = tpu.memref_slice %arg2[%dma_start3A_35, %dma_start3A_36] : memref<1000000x32xf32, #tpu.memory_space<hbm>> -> memref<1000000x32xf32, #tpu.memory_space<hbm>>
    tpu.enqueue_indirect_dma source(%dma_start3A_37 : memref<1000000x32xf32, #tpu.memory_space<hbm>>) target(%arg14 : memref<512x32xf32, #tpu.memory_space<vmem>>) offsets(%arg9 : memref<512xi32, #tpu.memory_space<vmem>>) semaphore(%arg19 : memref<!tpu.dma_semaphore, #tpu.memory_space<semaphore_mem>>)
    %dma_wait3A_38 = arith.constant 0 : i32
    %dma_wait3A_39 = arith.constant 0 : i32
    %dma_wait3A_40 = tpu.memref_slice %arg2[%dma_wait3A_38, %dma_wait3A_39] : memref<1000000x32xf32, #tpu.memory_space<hbm>> -> memref<1000000x32xf32, #tpu.memory_space<hbm>>
    tpu.wait_indirect_dma semaphore(%arg17 : memref<!tpu.dma_semaphore, #tpu.memory_space<semaphore_mem>>) src(%dma_wait3A_40 : memref<1000000x32xf32, #tpu.memory_space<hbm>>) dst(%arg12 : memref<512x32xf32, #tpu.memory_space<vmem>>)
    %add3A_41 = arith.constant 32768 : i32
    %add3A_42 = arith.addi %add3A_41, %mul3A_2 : i32
    %dma_start3A_43 = arith.constant 0 : i32
    %dma_start3A_44 = tpu.memref_slice %arg4[%add3A_42, %dma_start3A_43] : memref<819200x32xf32, #tpu.memory_space<hbm>> -> memref<512x32xf32, #tpu.memory_space<hbm>>
    %dma_start3A_45 = arith.constant 0 : i32
    %dma_start3A_46 = tpu.memref_slice %arg4[%add3A_42, %dma_start3A_45] : memref<819200x32xf32, #tpu.memory_space<hbm>> -> memref<512x32xf32, #tpu.memory_space<hbm>>
    tpu.enqueue_dma source(%arg12 : memref<512x32xf32, #tpu.memory_space<vmem>>) target(%dma_start3A_46 : memref<512x32xf32, #tpu.memory_space<hbm>>) target_semaphore(%arg22 : memref<!tpu.dma_semaphore, #tpu.memory_space<semaphore_mem>>)
    %dma_wait3A_47 = arith.constant 0 : i32
    %dma_wait3A_48 = tpu.memref_slice %arg4[%mul3A_2, %dma_wait3A_47] : memref<819200x32xf32, #tpu.memory_space<hbm>> -> memref<512x32xf32, #tpu.memory_space<hbm>>
    %dma_wait3A_49 = arith.constant 0 : i32
    %dma_wait3A_50 = tpu.memref_slice %arg4[%mul3A_2, %dma_wait3A_49] : memref<819200x32xf32, #tpu.memory_space<hbm>> -> memref<512x32xf32, #tpu.memory_space<hbm>>
    tpu.wait_dma2 semaphore(%arg20 : memref<!tpu.dma_semaphore, #tpu.memory_space<semaphore_mem>>) src(%arg10 : memref<512x32xf32, #tpu.memory_space<vmem>>) dst(%dma_wait3A_50 : memref<512x32xf32, #tpu.memory_space<hbm>>)
    %run_scoped3A_51 = arith.constant 5 : i32
    "tpu.region"() ({
      %run_scoped3A_175 = tpu.sem_alloc : memref<!tpu.dma_semaphore, #tpu.memory_space<semaphore_mem>>
      %dma_start3A_176 = tpu.memref_slice %arg3[%run_scoped3A_51, %mul3A_2] : memref<50x16384xi32, #tpu.memory_space<hbm>> -> memref<1x512xi32, #tpu.memory_space<hbm>>
      %dma_start3A_177 = tpu.memref_squeeze %dma_start3A_176 : memref<1x512xi32, #tpu.memory_space<hbm>> -> memref<512xi32, #tpu.memory_space<hbm>>
      %dma_start3A_178 = tpu.memref_slice %arg3[%run_scoped3A_51, %mul3A_2] : memref<50x16384xi32, #tpu.memory_space<hbm>> -> memref<1x512xi32, #tpu.memory_space<hbm>>
      %dma_start3A_179 = tpu.memref_squeeze %dma_start3A_178 : memref<1x512xi32, #tpu.memory_space<hbm>> -> memref<512xi32, #tpu.memory_space<hbm>>
      tpu.enqueue_dma source(%dma_start3A_179 : memref<512xi32, #tpu.memory_space<hbm>>) target(%arg5 : memref<512xi32, #tpu.memory_space<vmem>>) target_semaphore(%run_scoped3A_175 : memref<!tpu.dma_semaphore, #tpu.memory_space<semaphore_mem>>)
      %dma_wait3A_180 = tpu.memref_slice %arg3[%run_scoped3A_51, %mul3A_2] : memref<50x16384xi32, #tpu.memory_space<hbm>> -> memref<1x512xi32, #tpu.memory_space<hbm>>
      %dma_wait3A_181 = tpu.memref_squeeze %dma_wait3A_180 : memref<1x512xi32, #tpu.memory_space<hbm>> -> memref<512xi32, #tpu.memory_space<hbm>>
      %dma_wait3A_182 = tpu.memref_slice %arg3[%run_scoped3A_51, %mul3A_2] : memref<50x16384xi32, #tpu.memory_space<hbm>> -> memref<1x512xi32, #tpu.memory_space<hbm>>
      %dma_wait3A_183 = tpu.memref_squeeze %dma_wait3A_182 : memref<1x512xi32, #tpu.memory_space<hbm>> -> memref<512xi32, #tpu.memory_space<hbm>>
      tpu.wait_dma2 semaphore(%run_scoped3A_175 : memref<!tpu.dma_semaphore, #tpu.memory_space<semaphore_mem>>) src(%dma_wait3A_183 : memref<512xi32, #tpu.memory_space<hbm>>) dst(%arg5 : memref<512xi32, #tpu.memory_space<vmem>>)
      tpu.yield
    }) : () -> ()
    %dma_start3A_52 = arith.constant 0 : i32
    %dma_start3A_53 = arith.constant 0 : i32
    %dma_start3A_54 = tpu.memref_slice %arg2[%dma_start3A_52, %dma_start3A_53] : memref<1000000x32xf32, #tpu.memory_space<hbm>> -> memref<1000000x32xf32, #tpu.memory_space<hbm>>
    tpu.enqueue_indirect_dma source(%dma_start3A_54 : memref<1000000x32xf32, #tpu.memory_space<hbm>>) target(%arg10 : memref<512x32xf32, #tpu.memory_space<vmem>>) offsets(%arg5 : memref<512xi32, #tpu.memory_space<vmem>>) semaphore(%arg15 : memref<!tpu.dma_semaphore, #tpu.memory_space<semaphore_mem>>)
    %dma_wait3A_55 = arith.constant 0 : i32
    %dma_wait3A_56 = arith.constant 0 : i32
    %dma_wait3A_57 = tpu.memref_slice %arg2[%dma_wait3A_55, %dma_wait3A_56] : memref<1000000x32xf32, #tpu.memory_space<hbm>> -> memref<1000000x32xf32, #tpu.memory_space<hbm>>
    tpu.wait_indirect_dma semaphore(%arg18 : memref<!tpu.dma_semaphore, #tpu.memory_space<semaphore_mem>>) src(%dma_wait3A_57 : memref<1000000x32xf32, #tpu.memory_space<hbm>>) dst(%arg13 : memref<512x32xf32, #tpu.memory_space<vmem>>)
    %add3A_58 = arith.constant 49152 : i32
    %add3A_59 = arith.addi %add3A_58, %mul3A_2 : i32
    %dma_start3A_60 = arith.constant 0 : i32
    %dma_start3A_61 = tpu.memref_slice %arg4[%add3A_59, %dma_start3A_60] : memref<819200x32xf32, #tpu.memory_space<hbm>> -> memref<512x32xf32, #tpu.memory_space<hbm>>
    %dma_start3A_62 = arith.constant 0 : i32
    %dma_start3A_63 = tpu.memref_slice %arg4[%add3A_59, %dma_start3A_62] : memref<819200x32xf32, #tpu.memory_space<hbm>> -> memref<512x32xf32, #tpu.memory_space<hbm>>
    tpu.enqueue_dma source(%arg13 : memref<512x32xf32, #tpu.memory_space<vmem>>) target(%dma_start3A_63 : memref<512x32xf32, #tpu.memory_space<hbm>>) target_semaphore(%arg23 : memref<!tpu.dma_semaphore, #tpu.memory_space<semaphore_mem>>)
    %dma_wait3A_64 = arith.constant 0 : i32
    %dma_wait3A_65 = tpu.memref_slice %arg4[%mul3A_2, %dma_wait3A_64] : memref<819200x32xf32, #tpu.memory_space<hbm>> -> memref<512x32xf32, #tpu.memory_space<hbm>>
    %dma_wait3A_66 = arith.constant 0 : i32
    %dma_wait3A_67 = tpu.memref_slice %arg4[%mul3A_2, %dma_wait3A_66] : memref<819200x32xf32, #tpu.memory_space<hbm>> -> memref<512x32xf32, #tpu.memory_space<hbm>>
    tpu.wait_dma2 semaphore(%arg21 : memref<!tpu.dma_semaphore, #tpu.memory_space<semaphore_mem>>) src(%arg11 : memref<512x32xf32, #tpu.memory_space<vmem>>) dst(%dma_wait3A_67 : memref<512x32xf32, #tpu.memory_space<hbm>>)
    %run_scoped3A_68 = arith.constant 6 : i32
    "tpu.region"() ({
      %run_scoped3A_175 = tpu.sem_alloc : memref<!tpu.dma_semaphore, #tpu.memory_space<semaphore_mem>>
      %dma_start3A_176 = tpu.memref_slice %arg3[%run_scoped3A_68, %mul3A_2] : memref<50x16384xi32, #tpu.memory_space<hbm>> -> memref<1x512xi32, #tpu.memory_space<hbm>>
      %dma_start3A_177 = tpu.memref_squeeze %dma_start3A_176 : memref<1x512xi32, #tpu.memory_space<hbm>> -> memref<512xi32, #tpu.memory_space<hbm>>
      %dma_start3A_178 = tpu.memref_slice %arg3[%run_scoped3A_68, %mul3A_2] : memref<50x16384xi32, #tpu.memory_space<hbm>> -> memref<1x512xi32, #tpu.memory_space<hbm>>
      %dma_start3A_179 = tpu.memref_squeeze %dma_start3A_178 : memref<1x512xi32, #tpu.memory_space<hbm>> -> memref<512xi32, #tpu.memory_space<hbm>>
      tpu.enqueue_dma source(%dma_start3A_179 : memref<512xi32, #tpu.memory_space<hbm>>) target(%arg6 : memref<512xi32, #tpu.memory_space<vmem>>) target_semaphore(%run_scoped3A_175 : memref<!tpu.dma_semaphore, #tpu.memory_space<semaphore_mem>>)
      %dma_wait3A_180 = tpu.memref_slice %arg3[%run_scoped3A_68, %mul3A_2] : memref<50x16384xi32, #tpu.memory_space<hbm>> -> memref<1x512xi32, #tpu.memory_space<hbm>>
      %dma_wait3A_181 = tpu.memref_squeeze %dma_wait3A_180 : memref<1x512xi32, #tpu.memory_space<hbm>> -> memref<512xi32, #tpu.memory_space<hbm>>
      %dma_wait3A_182 = tpu.memref_slice %arg3[%run_scoped3A_68, %mul3A_2] : memref<50x16384xi32, #tpu.memory_space<hbm>> -> memref<1x512xi32, #tpu.memory_space<hbm>>
      %dma_wait3A_183 = tpu.memref_squeeze %dma_wait3A_182 : memref<1x512xi32, #tpu.memory_space<hbm>> -> memref<512xi32, #tpu.memory_space<hbm>>
      tpu.wait_dma2 semaphore(%run_scoped3A_175 : memref<!tpu.dma_semaphore, #tpu.memory_space<semaphore_mem>>) src(%dma_wait3A_183 : memref<512xi32, #tpu.memory_space<hbm>>) dst(%arg6 : memref<512xi32, #tpu.memory_space<vmem>>)
      tpu.yield
    }) : () -> ()
    %dma_start3A_69 = arith.constant 0 : i32
    %dma_start3A_70 = arith.constant 0 : i32
    %dma_start3A_71 = tpu.memref_slice %arg2[%dma_start3A_69, %dma_start3A_70] : memref<1000000x32xf32, #tpu.memory_space<hbm>> -> memref<1000000x32xf32, #tpu.memory_space<hbm>>
    tpu.enqueue_indirect_dma source(%dma_start3A_71 : memref<1000000x32xf32, #tpu.memory_space<hbm>>) target(%arg11 : memref<512x32xf32, #tpu.memory_space<vmem>>) offsets(%arg6 : memref<512xi32, #tpu.memory_space<vmem>>) semaphore(%arg16 : memref<!tpu.dma_semaphore, #tpu.memory_space<semaphore_mem>>)
    %dma_wait3A_72 = arith.constant 0 : i32
    %dma_wait3A_73 = arith.constant 0 : i32
    %dma_wait3A_74 = tpu.memref_slice %arg2[%dma_wait3A_72, %dma_wait3A_73] : memref<1000000x32xf32, #tpu.memory_space<hbm>> -> memref<1000000x32xf32, #tpu.memory_space<hbm>>
    tpu.wait_indirect_dma semaphore(%arg19 : memref<!tpu.dma_semaphore, #tpu.memory_space<semaphore_mem>>) src(%dma_wait3A_74 : memref<1000000x32xf32, #tpu.memory_space<hbm>>) dst(%arg14 : memref<512x32xf32, #tpu.memory_space<vmem>>)
    %add3A_75 = arith.constant 65536 : i32
    %add3A_76 = arith.addi %add3A_75, %mul3A_2 : i32
    %dma_start3A_77 = arith.constant 0 : i32
    %dma_start3A_78 = tpu.memref_slice %arg4[%add3A_76, %dma_start3A_77] : memref<819200x32xf32, #tpu.memory_space<hbm>> -> memref<512x32xf32, #tpu.memory_space<hbm>>
    %dma_start3A_79 = arith.constant 0 : i32
    %dma_start3A_80 = tpu.memref_slice %arg4[%add3A_76, %dma_start3A_79] : memref<819200x32xf32, #tpu.memory_space<hbm>> -> memref<512x32xf32, #tpu.memory_space<hbm>>
    tpu.enqueue_dma source(%arg14 : memref<512x32xf32, #tpu.memory_space<vmem>>) target(%dma_start3A_80 : memref<512x32xf32, #tpu.memory_space<hbm>>) target_semaphore(%arg24 : memref<!tpu.dma_semaphore, #tpu.memory_space<semaphore_mem>>)
    %scan3A = arith.constant 0 : i32
    %scan3A_81 = arith.constant 1 : i32
    %scan3A_82 = arith.constant 8 : i32
    %scan3A_83 = arith.addi %scan3A_81, %scan3A_82 : i32
    %scan3A_84 = arith.constant 1 : i32
    scf.for %scan3A_175 = %scan3A_81 to %scan3A_83 step %scan3A_84  : i32 {
      %mul3A_176 = arith.constant 5 : i32
      %mul3A_177 = arith.muli %scan3A_175, %mul3A_176 : i32
      %add3A_178 = arith.constant 0 : i32
      %add3A_179 = arith.addi %mul3A_177, %add3A_178 : i32
      %dma_wait3A_180 = arith.constant 0 : i32
      %dma_wait3A_181 = tpu.memref_slice %arg4[%mul3A_2, %dma_wait3A_180] : memref<819200x32xf32, #tpu.memory_space<hbm>> -> memref<512x32xf32, #tpu.memory_space<hbm>>
      %dma_wait3A_182 = arith.constant 0 : i32
      %dma_wait3A_183 = tpu.memref_slice %arg4[%mul3A_2, %dma_wait3A_182] : memref<819200x32xf32, #tpu.memory_space<hbm>> -> memref<512x32xf32, #tpu.memory_space<hbm>>
      tpu.wait_dma2 semaphore(%arg22 : memref<!tpu.dma_semaphore, #tpu.memory_space<semaphore_mem>>) src(%arg12 : memref<512x32xf32, #tpu.memory_space<vmem>>) dst(%dma_wait3A_183 : memref<512x32xf32, #tpu.memory_space<hbm>>)
      %add3A_184 = arith.constant 2 : i32
      %add3A_185 = arith.addi %add3A_179, %add3A_184 : i32
      "tpu.region"() ({
        %run_scoped3A_283 = tpu.sem_alloc : memref<!tpu.dma_semaphore, #tpu.memory_space<semaphore_mem>>
        %dma_start3A_284 = tpu.memref_slice %arg3[%add3A_185, %mul3A_2] : memref<50x16384xi32, #tpu.memory_space<hbm>> -> memref<1x512xi32, #tpu.memory_space<hbm>>
        %dma_start3A_285 = tpu.memref_squeeze %dma_start3A_284 : memref<1x512xi32, #tpu.memory_space<hbm>> -> memref<512xi32, #tpu.memory_space<hbm>>
        %dma_start3A_286 = tpu.memref_slice %arg3[%add3A_185, %mul3A_2] : memref<50x16384xi32, #tpu.memory_space<hbm>> -> memref<1x512xi32, #tpu.memory_space<hbm>>
        %dma_start3A_287 = tpu.memref_squeeze %dma_start3A_286 : memref<1x512xi32, #tpu.memory_space<hbm>> -> memref<512xi32, #tpu.memory_space<hbm>>
        tpu.enqueue_dma source(%dma_start3A_287 : memref<512xi32, #tpu.memory_space<hbm>>) target(%arg7 : memref<512xi32, #tpu.memory_space<vmem>>) target_semaphore(%run_scoped3A_283 : memref<!tpu.dma_semaphore, #tpu.memory_space<semaphore_mem>>)
        %dma_wait3A_288 = tpu.memref_slice %arg3[%add3A_185, %mul3A_2] : memref<50x16384xi32, #tpu.memory_space<hbm>> -> memref<1x512xi32, #tpu.memory_space<hbm>>
        %dma_wait3A_289 = tpu.memref_squeeze %dma_wait3A_288 : memref<1x512xi32, #tpu.memory_space<hbm>> -> memref<512xi32, #tpu.memory_space<hbm>>
        %dma_wait3A_290 = tpu.memref_slice %arg3[%add3A_185, %mul3A_2] : memref<50x16384xi32, #tpu.memory_space<hbm>> -> memref<1x512xi32, #tpu.memory_space<hbm>>
        %dma_wait3A_291 = tpu.memref_squeeze %dma_wait3A_290 : memref<1x512xi32, #tpu.memory_space<hbm>> -> memref<512xi32, #tpu.memory_space<hbm>>
        tpu.wait_dma2 semaphore(%run_scoped3A_283 : memref<!tpu.dma_semaphore, #tpu.memory_space<semaphore_mem>>) src(%dma_wait3A_291 : memref<512xi32, #tpu.memory_space<hbm>>) dst(%arg7 : memref<512xi32, #tpu.memory_space<vmem>>)
        tpu.yield
      }) : () -> ()
      %dma_start3A_186 = arith.constant 0 : i32
      %dma_start3A_187 = arith.constant 0 : i32
      %dma_start3A_188 = tpu.memref_slice %arg2[%dma_start3A_186, %dma_start3A_187] : memref<1000000x32xf32, #tpu.memory_space<hbm>> -> memref<1000000x32xf32, #tpu.memory_space<hbm>>
      tpu.enqueue_indirect_dma source(%dma_start3A_188 : memref<1000000x32xf32, #tpu.memory_space<hbm>>) target(%arg12 : memref<512x32xf32, #tpu.memory_space<vmem>>) offsets(%arg7 : memref<512xi32, #tpu.memory_space<vmem>>) semaphore(%arg17 : memref<!tpu.dma_semaphore, #tpu.memory_space<semaphore_mem>>)
      %dma_wait3A_189 = arith.constant 0 : i32
      %dma_wait3A_190 = arith.constant 0 : i32
      %dma_wait3A_191 = tpu.memref_slice %arg2[%dma_wait3A_189, %dma_wait3A_190] : memref<1000000x32xf32, #tpu.memory_space<hbm>> -> memref<1000000x32xf32, #tpu.memory_space<hbm>>
      tpu.wait_indirect_dma semaphore(%arg15 : memref<!tpu.dma_semaphore, #tpu.memory_space<semaphore_mem>>) src(%dma_wait3A_191 : memref<1000000x32xf32, #tpu.memory_space<hbm>>) dst(%arg10 : memref<512x32xf32, #tpu.memory_space<vmem>>)
      %mul3A_192 = arith.constant 16384 : i32
      %mul3A_193 = arith.muli %add3A_179, %mul3A_192 : i32
      %add3A_194 = arith.addi %mul3A_193, %mul3A_2 : i32
      %dma_start3A_195 = arith.constant 0 : i32
      %dma_start3A_196 = tpu.memref_slice %arg4[%add3A_194, %dma_start3A_195] : memref<819200x32xf32, #tpu.memory_space<hbm>> -> memref<512x32xf32, #tpu.memory_space<hbm>>
      %dma_start3A_197 = arith.constant 0 : i32
      %dma_start3A_198 = tpu.memref_slice %arg4[%add3A_194, %dma_start3A_197] : memref<819200x32xf32, #tpu.memory_space<hbm>> -> memref<512x32xf32, #tpu.memory_space<hbm>>
      tpu.enqueue_dma source(%arg10 : memref<512x32xf32, #tpu.memory_space<vmem>>) target(%dma_start3A_198 : memref<512x32xf32, #tpu.memory_space<hbm>>) target_semaphore(%arg20 : memref<!tpu.dma_semaphore, #tpu.memory_space<semaphore_mem>>)
      %add3A_199 = arith.constant 1 : i32
      %add3A_200 = arith.addi %mul3A_177, %add3A_199 : i32
      %dma_wait3A_201 = arith.constant 0 : i32
      %dma_wait3A_202 = tpu.memref_slice %arg4[%mul3A_2, %dma_wait3A_201] : memref<819200x32xf32, #tpu.memory_space<hbm>> -> memref<512x32xf32, #tpu.memory_space<hbm>>
      %dma_wait3A_203 = arith.constant 0 : i32
      %dma_wait3A_204 = tpu.memref_slice %arg4[%mul3A_2, %dma_wait3A_203] : memref<819200x32xf32, #tpu.memory_space<hbm>> -> memref<512x32xf32, #tpu.memory_space<hbm>>
      tpu.wait_dma2 semaphore(%arg23 : memref<!tpu.dma_semaphore, #tpu.memory_space<semaphore_mem>>) src(%arg13 : memref<512x32xf32, #tpu.memory_space<vmem>>) dst(%dma_wait3A_204 : memref<512x32xf32, #tpu.memory_space<hbm>>)
      %add3A_205 = arith.constant 2 : i32
      %add3A_206 = arith.addi %add3A_200, %add3A_205 : i32
      "tpu.region"() ({
        %run_scoped3A_283 = tpu.sem_alloc : memref<!tpu.dma_semaphore, #tpu.memory_space<semaphore_mem>>
        %dma_start3A_284 = tpu.memref_slice %arg3[%add3A_206, %mul3A_2] : memref<50x16384xi32, #tpu.memory_space<hbm>> -> memref<1x512xi32, #tpu.memory_space<hbm>>
        %dma_start3A_285 = tpu.memref_squeeze %dma_start3A_284 : memref<1x512xi32, #tpu.memory_space<hbm>> -> memref<512xi32, #tpu.memory_space<hbm>>
        %dma_start3A_286 = tpu.memref_slice %arg3[%add3A_206, %mul3A_2] : memref<50x16384xi32, #tpu.memory_space<hbm>> -> memref<1x512xi32, #tpu.memory_space<hbm>>
        %dma_start3A_287 = tpu.memref_squeeze %dma_start3A_286 : memref<1x512xi32, #tpu.memory_space<hbm>> -> memref<512xi32, #tpu.memory_space<hbm>>
        tpu.enqueue_dma source(%dma_start3A_287 : memref<512xi32, #tpu.memory_space<hbm>>) target(%arg8 : memref<512xi32, #tpu.memory_space<vmem>>) target_semaphore(%run_scoped3A_283 : memref<!tpu.dma_semaphore, #tpu.memory_space<semaphore_mem>>)
        %dma_wait3A_288 = tpu.memref_slice %arg3[%add3A_206, %mul3A_2] : memref<50x16384xi32, #tpu.memory_space<hbm>> -> memref<1x512xi32, #tpu.memory_space<hbm>>
        %dma_wait3A_289 = tpu.memref_squeeze %dma_wait3A_288 : memref<1x512xi32, #tpu.memory_space<hbm>> -> memref<512xi32, #tpu.memory_space<hbm>>
        %dma_wait3A_290 = tpu.memref_slice %arg3[%add3A_206, %mul3A_2] : memref<50x16384xi32, #tpu.memory_space<hbm>> -> memref<1x512xi32, #tpu.memory_space<hbm>>
        %dma_wait3A_291 = tpu.memref_squeeze %dma_wait3A_290 : memref<1x512xi32, #tpu.memory_space<hbm>> -> memref<512xi32, #tpu.memory_space<hbm>>
        tpu.wait_dma2 semaphore(%run_scoped3A_283 : memref<!tpu.dma_semaphore, #tpu.memory_space<semaphore_mem>>) src(%dma_wait3A_291 : memref<512xi32, #tpu.memory_space<hbm>>) dst(%arg8 : memref<512xi32, #tpu.memory_space<vmem>>)
        tpu.yield
      }) : () -> ()
      %dma_start3A_207 = arith.constant 0 : i32
      %dma_start3A_208 = arith.constant 0 : i32
      %dma_start3A_209 = tpu.memref_slice %arg2[%dma_start3A_207, %dma_start3A_208] : memref<1000000x32xf32, #tpu.memory_space<hbm>> -> memref<1000000x32xf32, #tpu.memory_space<hbm>>
      tpu.enqueue_indirect_dma source(%dma_start3A_209 : memref<1000000x32xf32, #tpu.memory_space<hbm>>) target(%arg13 : memref<512x32xf32, #tpu.memory_space<vmem>>) offsets(%arg8 : memref<512xi32, #tpu.memory_space<vmem>>) semaphore(%arg18 : memref<!tpu.dma_semaphore, #tpu.memory_space<semaphore_mem>>)
      %dma_wait3A_210 = arith.constant 0 : i32
      %dma_wait3A_211 = arith.constant 0 : i32
      %dma_wait3A_212 = tpu.memref_slice %arg2[%dma_wait3A_210, %dma_wait3A_211] : memref<1000000x32xf32, #tpu.memory_space<hbm>> -> memref<1000000x32xf32, #tpu.memory_space<hbm>>
      tpu.wait_indirect_dma semaphore(%arg16 : memref<!tpu.dma_semaphore, #tpu.memory_space<semaphore_mem>>) src(%dma_wait3A_212 : memref<1000000x32xf32, #tpu.memory_space<hbm>>) dst(%arg11 : memref<512x32xf32, #tpu.memory_space<vmem>>)
      %mul3A_213 = arith.constant 16384 : i32
      %mul3A_214 = arith.muli %add3A_200, %mul3A_213 : i32
      %add3A_215 = arith.addi %mul3A_214, %mul3A_2 : i32
      %dma_start3A_216 = arith.constant 0 : i32
      %dma_start3A_217 = tpu.memref_slice %arg4[%add3A_215, %dma_start3A_216] : memref<819200x32xf32, #tpu.memory_space<hbm>> -> memref<512x32xf32, #tpu.memory_space<hbm>>
      %dma_start3A_218 = arith.constant 0 : i32
      %dma_start3A_219 = tpu.memref_slice %arg4[%add3A_215, %dma_start3A_218] : memref<819200x32xf32, #tpu.memory_space<hbm>> -> memref<512x32xf32, #tpu.memory_space<hbm>>
      tpu.enqueue_dma source(%arg11 : memref<512x32xf32, #tpu.memory_space<vmem>>) target(%dma_start3A_219 : memref<512x32xf32, #tpu.memory_space<hbm>>) target_semaphore(%arg21 : memref<!tpu.dma_semaphore, #tpu.memory_space<semaphore_mem>>)
      %add3A_220 = arith.constant 2 : i32
      %add3A_221 = arith.addi %mul3A_177, %add3A_220 : i32
      %dma_wait3A_222 = arith.constant 0 : i32
      %dma_wait3A_223 = tpu.memref_slice %arg4[%mul3A_2, %dma_wait3A_222] : memref<819200x32xf32, #tpu.memory_space<hbm>> -> memref<512x32xf32, #tpu.memory_space<hbm>>
      %dma_wait3A_224 = arith.constant 0 : i32
      %dma_wait3A_225 = tpu.memref_slice %arg4[%mul3A_2, %dma_wait3A_224] : memref<819200x32xf32, #tpu.memory_space<hbm>> -> memref<512x32xf32, #tpu.memory_space<hbm>>
      tpu.wait_dma2 semaphore(%arg24 : memref<!tpu.dma_semaphore, #tpu.memory_space<semaphore_mem>>) src(%arg14 : memref<512x32xf32, #tpu.memory_space<vmem>>) dst(%dma_wait3A_225 : memref<512x32xf32, #tpu.memory_space<hbm>>)
      %add3A_226 = arith.constant 2 : i32
      %add3A_227 = arith.addi %add3A_221, %add3A_226 : i32
      "tpu.region"() ({
        %run_scoped3A_283 = tpu.sem_alloc : memref<!tpu.dma_semaphore, #tpu.memory_space<semaphore_mem>>
        %dma_start3A_284 = tpu.memref_slice %arg3[%add3A_227, %mul3A_2] : memref<50x16384xi32, #tpu.memory_space<hbm>> -> memref<1x512xi32, #tpu.memory_space<hbm>>
        %dma_start3A_285 = tpu.memref_squeeze %dma_start3A_284 : memref<1x512xi32, #tpu.memory_space<hbm>> -> memref<512xi32, #tpu.memory_space<hbm>>
        %dma_start3A_286 = tpu.memref_slice %arg3[%add3A_227, %mul3A_2] : memref<50x16384xi32, #tpu.memory_space<hbm>> -> memref<1x512xi32, #tpu.memory_space<hbm>>
        %dma_start3A_287 = tpu.memref_squeeze %dma_start3A_286 : memref<1x512xi32, #tpu.memory_space<hbm>> -> memref<512xi32, #tpu.memory_space<hbm>>
        tpu.enqueue_dma source(%dma_start3A_287 : memref<512xi32, #tpu.memory_space<hbm>>) target(%arg9 : memref<512xi32, #tpu.memory_space<vmem>>) target_semaphore(%run_scoped3A_283 : memref<!tpu.dma_semaphore, #tpu.memory_space<semaphore_mem>>)
        %dma_wait3A_288 = tpu.memref_slice %arg3[%add3A_227, %mul3A_2] : memref<50x16384xi32, #tpu.memory_space<hbm>> -> memref<1x512xi32, #tpu.memory_space<hbm>>
        %dma_wait3A_289 = tpu.memref_squeeze %dma_wait3A_288 : memref<1x512xi32, #tpu.memory_space<hbm>> -> memref<512xi32, #tpu.memory_space<hbm>>
        %dma_wait3A_290 = tpu.memref_slice %arg3[%add3A_227, %mul3A_2] : memref<50x16384xi32, #tpu.memory_space<hbm>> -> memref<1x512xi32, #tpu.memory_space<hbm>>
        %dma_wait3A_291 = tpu.memref_squeeze %dma_wait3A_290 : memref<1x512xi32, #tpu.memory_space<hbm>> -> memref<512xi32, #tpu.memory_space<hbm>>
        tpu.wait_dma2 semaphore(%run_scoped3A_283 : memref<!tpu.dma_semaphore, #tpu.memory_space<semaphore_mem>>) src(%dma_wait3A_291 : memref<512xi32, #tpu.memory_space<hbm>>) dst(%arg9 : memref<512xi32, #tpu.memory_space<vmem>>)
        tpu.yield
      }) : () -> ()
      %dma_start3A_228 = arith.constant 0 : i32
      %dma_start3A_229 = arith.constant 0 : i32
      %dma_start3A_230 = tpu.memref_slice %arg2[%dma_start3A_228, %dma_start3A_229] : memref<1000000x32xf32, #tpu.memory_space<hbm>> -> memref<1000000x32xf32, #tpu.memory_space<hbm>>
      tpu.enqueue_indirect_dma source(%dma_start3A_230 : memref<1000000x32xf32, #tpu.memory_space<hbm>>) target(%arg14 : memref<512x32xf32, #tpu.memory_space<vmem>>) offsets(%arg9 : memref<512xi32, #tpu.memory_space<vmem>>) semaphore(%arg19 : memref<!tpu.dma_semaphore, #tpu.memory_space<semaphore_mem>>)
      %dma_wait3A_231 = arith.constant 0 : i32
      %dma_wait3A_232 = arith.constant 0 : i32
      %dma_wait3A_233 = tpu.memref_slice %arg2[%dma_wait3A_231, %dma_wait3A_232] : memref<1000000x32xf32, #tpu.memory_space<hbm>> -> memref<1000000x32xf32, #tpu.memory_space<hbm>>
      tpu.wait_indirect_dma semaphore(%arg17 : memref<!tpu.dma_semaphore, #tpu.memory_space<semaphore_mem>>) src(%dma_wait3A_233 : memref<1000000x32xf32, #tpu.memory_space<hbm>>) dst(%arg12 : memref<512x32xf32, #tpu.memory_space<vmem>>)
      %mul3A_234 = arith.constant 16384 : i32
      %mul3A_235 = arith.muli %add3A_221, %mul3A_234 : i32
      %add3A_236 = arith.addi %mul3A_235, %mul3A_2 : i32
      %dma_start3A_237 = arith.constant 0 : i32
      %dma_start3A_238 = tpu.memref_slice %arg4[%add3A_236, %dma_start3A_237] : memref<819200x32xf32, #tpu.memory_space<hbm>> -> memref<512x32xf32, #tpu.memory_space<hbm>>
      %dma_start3A_239 = arith.constant 0 : i32
      %dma_start3A_240 = tpu.memref_slice %arg4[%add3A_236, %dma_start3A_239] : memref<819200x32xf32, #tpu.memory_space<hbm>> -> memref<512x32xf32, #tpu.memory_space<hbm>>
      tpu.enqueue_dma source(%arg12 : memref<512x32xf32, #tpu.memory_space<vmem>>) target(%dma_start3A_240 : memref<512x32xf32, #tpu.memory_space<hbm>>) target_semaphore(%arg22 : memref<!tpu.dma_semaphore, #tpu.memory_space<semaphore_mem>>)
      %add3A_241 = arith.constant 3 : i32
      %add3A_242 = arith.addi %mul3A_177, %add3A_241 : i32
      %dma_wait3A_243 = arith.constant 0 : i32
      %dma_wait3A_244 = tpu.memref_slice %arg4[%mul3A_2, %dma_wait3A_243] : memref<819200x32xf32, #tpu.memory_space<hbm>> -> memref<512x32xf32, #tpu.memory_space<hbm>>
      %dma_wait3A_245 = arith.constant 0 : i32
      %dma_wait3A_246 = tpu.memref_slice %arg4[%mul3A_2, %dma_wait3A_245] : memref<819200x32xf32, #tpu.memory_space<hbm>> -> memref<512x32xf32, #tpu.memory_space<hbm>>
      tpu.wait_dma2 semaphore(%arg20 : memref<!tpu.dma_semaphore, #tpu.memory_space<semaphore_mem>>) src(%arg10 : memref<512x32xf32, #tpu.memory_space<vmem>>) dst(%dma_wait3A_246 : memref<512x32xf32, #tpu.memory_space<hbm>>)
      %add3A_247 = arith.constant 2 : i32
      %add3A_248 = arith.addi %add3A_242, %add3A_247 : i32
      "tpu.region"() ({
        %run_scoped3A_283 = tpu.sem_alloc : memref<!tpu.dma_semaphore, #tpu.memory_space<semaphore_mem>>
        %dma_start3A_284 = tpu.memref_slice %arg3[%add3A_248, %mul3A_2] : memref<50x16384xi32, #tpu.memory_space<hbm>> -> memref<1x512xi32, #tpu.memory_space<hbm>>
        %dma_start3A_285 = tpu.memref_squeeze %dma_start3A_284 : memref<1x512xi32, #tpu.memory_space<hbm>> -> memref<512xi32, #tpu.memory_space<hbm>>
        %dma_start3A_286 = tpu.memref_slice %arg3[%add3A_248, %mul3A_2] : memref<50x16384xi32, #tpu.memory_space<hbm>> -> memref<1x512xi32, #tpu.memory_space<hbm>>
        %dma_start3A_287 = tpu.memref_squeeze %dma_start3A_286 : memref<1x512xi32, #tpu.memory_space<hbm>> -> memref<512xi32, #tpu.memory_space<hbm>>
        tpu.enqueue_dma source(%dma_start3A_287 : memref<512xi32, #tpu.memory_space<hbm>>) target(%arg5 : memref<512xi32, #tpu.memory_space<vmem>>) target_semaphore(%run_scoped3A_283 : memref<!tpu.dma_semaphore, #tpu.memory_space<semaphore_mem>>)
        %dma_wait3A_288 = tpu.memref_slice %arg3[%add3A_248, %mul3A_2] : memref<50x16384xi32, #tpu.memory_space<hbm>> -> memref<1x512xi32, #tpu.memory_space<hbm>>
        %dma_wait3A_289 = tpu.memref_squeeze %dma_wait3A_288 : memref<1x512xi32, #tpu.memory_space<hbm>> -> memref<512xi32, #tpu.memory_space<hbm>>
        %dma_wait3A_290 = tpu.memref_slice %arg3[%add3A_248, %mul3A_2] : memref<50x16384xi32, #tpu.memory_space<hbm>> -> memref<1x512xi32, #tpu.memory_space<hbm>>
        %dma_wait3A_291 = tpu.memref_squeeze %dma_wait3A_290 : memref<1x512xi32, #tpu.memory_space<hbm>> -> memref<512xi32, #tpu.memory_space<hbm>>
        tpu.wait_dma2 semaphore(%run_scoped3A_283 : memref<!tpu.dma_semaphore, #tpu.memory_space<semaphore_mem>>) src(%dma_wait3A_291 : memref<512xi32, #tpu.memory_space<hbm>>) dst(%arg5 : memref<512xi32, #tpu.memory_space<vmem>>)
        tpu.yield
      }) : () -> ()
      %dma_start3A_249 = arith.constant 0 : i32
      %dma_start3A_250 = arith.constant 0 : i32
      %dma_start3A_251 = tpu.memref_slice %arg2[%dma_start3A_249, %dma_start3A_250] : memref<1000000x32xf32, #tpu.memory_space<hbm>> -> memref<1000000x32xf32, #tpu.memory_space<hbm>>
      tpu.enqueue_indirect_dma source(%dma_start3A_251 : memref<1000000x32xf32, #tpu.memory_space<hbm>>) target(%arg10 : memref<512x32xf32, #tpu.memory_space<vmem>>) offsets(%arg5 : memref<512xi32, #tpu.memory_space<vmem>>) semaphore(%arg15 : memref<!tpu.dma_semaphore, #tpu.memory_space<semaphore_mem>>)
      %dma_wait3A_252 = arith.constant 0 : i32
      %dma_wait3A_253 = arith.constant 0 : i32
      %dma_wait3A_254 = tpu.memref_slice %arg2[%dma_wait3A_252, %dma_wait3A_253] : memref<1000000x32xf32, #tpu.memory_space<hbm>> -> memref<1000000x32xf32, #tpu.memory_space<hbm>>
      tpu.wait_indirect_dma semaphore(%arg18 : memref<!tpu.dma_semaphore, #tpu.memory_space<semaphore_mem>>) src(%dma_wait3A_254 : memref<1000000x32xf32, #tpu.memory_space<hbm>>) dst(%arg13 : memref<512x32xf32, #tpu.memory_space<vmem>>)
      %mul3A_255 = arith.constant 16384 : i32
      %mul3A_256 = arith.muli %add3A_242, %mul3A_255 : i32
      %add3A_257 = arith.addi %mul3A_256, %mul3A_2 : i32
      %dma_start3A_258 = arith.constant 0 : i32
      %dma_start3A_259 = tpu.memref_slice %arg4[%add3A_257, %dma_start3A_258] : memref<819200x32xf32, #tpu.memory_space<hbm>> -> memref<512x32xf32, #tpu.memory_space<hbm>>
      %dma_start3A_260 = arith.constant 0 : i32
      %dma_start3A_261 = tpu.memref_slice %arg4[%add3A_257, %dma_start3A_260] : memref<819200x32xf32, #tpu.memory_space<hbm>> -> memref<512x32xf32, #tpu.memory_space<hbm>>
      tpu.enqueue_dma source(%arg13 : memref<512x32xf32, #tpu.memory_space<vmem>>) target(%dma_start3A_261 : memref<512x32xf32, #tpu.memory_space<hbm>>) target_semaphore(%arg23 : memref<!tpu.dma_semaphore, #tpu.memory_space<semaphore_mem>>)
      %add3A_262 = arith.constant 4 : i32
      %add3A_263 = arith.addi %mul3A_177, %add3A_262 : i32
      %dma_wait3A_264 = arith.constant 0 : i32
      %dma_wait3A_265 = tpu.memref_slice %arg4[%mul3A_2, %dma_wait3A_264] : memref<819200x32xf32, #tpu.memory_space<hbm>> -> memref<512x32xf32, #tpu.memory_space<hbm>>
      %dma_wait3A_266 = arith.constant 0 : i32
      %dma_wait3A_267 = tpu.memref_slice %arg4[%mul3A_2, %dma_wait3A_266] : memref<819200x32xf32, #tpu.memory_space<hbm>> -> memref<512x32xf32, #tpu.memory_space<hbm>>
      tpu.wait_dma2 semaphore(%arg21 : memref<!tpu.dma_semaphore, #tpu.memory_space<semaphore_mem>>) src(%arg11 : memref<512x32xf32, #tpu.memory_space<vmem>>) dst(%dma_wait3A_267 : memref<512x32xf32, #tpu.memory_space<hbm>>)
      %add3A_268 = arith.constant 2 : i32
      %add3A_269 = arith.addi %add3A_263, %add3A_268 : i32
      "tpu.region"() ({
        %run_scoped3A_283 = tpu.sem_alloc : memref<!tpu.dma_semaphore, #tpu.memory_space<semaphore_mem>>
        %dma_start3A_284 = tpu.memref_slice %arg3[%add3A_269, %mul3A_2] : memref<50x16384xi32, #tpu.memory_space<hbm>> -> memref<1x512xi32, #tpu.memory_space<hbm>>
        %dma_start3A_285 = tpu.memref_squeeze %dma_start3A_284 : memref<1x512xi32, #tpu.memory_space<hbm>> -> memref<512xi32, #tpu.memory_space<hbm>>
        %dma_start3A_286 = tpu.memref_slice %arg3[%add3A_269, %mul3A_2] : memref<50x16384xi32, #tpu.memory_space<hbm>> -> memref<1x512xi32, #tpu.memory_space<hbm>>
        %dma_start3A_287 = tpu.memref_squeeze %dma_start3A_286 : memref<1x512xi32, #tpu.memory_space<hbm>> -> memref<512xi32, #tpu.memory_space<hbm>>
        tpu.enqueue_dma source(%dma_start3A_287 : memref<512xi32, #tpu.memory_space<hbm>>) target(%arg6 : memref<512xi32, #tpu.memory_space<vmem>>) target_semaphore(%run_scoped3A_283 : memref<!tpu.dma_semaphore, #tpu.memory_space<semaphore_mem>>)
        %dma_wait3A_288 = tpu.memref_slice %arg3[%add3A_269, %mul3A_2] : memref<50x16384xi32, #tpu.memory_space<hbm>> -> memref<1x512xi32, #tpu.memory_space<hbm>>
        %dma_wait3A_289 = tpu.memref_squeeze %dma_wait3A_288 : memref<1x512xi32, #tpu.memory_space<hbm>> -> memref<512xi32, #tpu.memory_space<hbm>>
        %dma_wait3A_290 = tpu.memref_slice %arg3[%add3A_269, %mul3A_2] : memref<50x16384xi32, #tpu.memory_space<hbm>> -> memref<1x512xi32, #tpu.memory_space<hbm>>
        %dma_wait3A_291 = tpu.memref_squeeze %dma_wait3A_290 : memref<1x512xi32, #tpu.memory_space<hbm>> -> memref<512xi32, #tpu.memory_space<hbm>>
        tpu.wait_dma2 semaphore(%run_scoped3A_283 : memref<!tpu.dma_semaphore, #tpu.memory_space<semaphore_mem>>) src(%dma_wait3A_291 : memref<512xi32, #tpu.memory_space<hbm>>) dst(%arg6 : memref<512xi32, #tpu.memory_space<vmem>>)
        tpu.yield
      }) : () -> ()
      %dma_start3A_270 = arith.constant 0 : i32
      %dma_start3A_271 = arith.constant 0 : i32
      %dma_start3A_272 = tpu.memref_slice %arg2[%dma_start3A_270, %dma_start3A_271] : memref<1000000x32xf32, #tpu.memory_space<hbm>> -> memref<1000000x32xf32, #tpu.memory_space<hbm>>
      tpu.enqueue_indirect_dma source(%dma_start3A_272 : memref<1000000x32xf32, #tpu.memory_space<hbm>>) target(%arg11 : memref<512x32xf32, #tpu.memory_space<vmem>>) offsets(%arg6 : memref<512xi32, #tpu.memory_space<vmem>>) semaphore(%arg16 : memref<!tpu.dma_semaphore, #tpu.memory_space<semaphore_mem>>)
      %dma_wait3A_273 = arith.constant 0 : i32
      %dma_wait3A_274 = arith.constant 0 : i32
      %dma_wait3A_275 = tpu.memref_slice %arg2[%dma_wait3A_273, %dma_wait3A_274] : memref<1000000x32xf32, #tpu.memory_space<hbm>> -> memref<1000000x32xf32, #tpu.memory_space<hbm>>
      tpu.wait_indirect_dma semaphore(%arg19 : memref<!tpu.dma_semaphore, #tpu.memory_space<semaphore_mem>>) src(%dma_wait3A_275 : memref<1000000x32xf32, #tpu.memory_space<hbm>>) dst(%arg14 : memref<512x32xf32, #tpu.memory_space<vmem>>)
      %mul3A_276 = arith.constant 16384 : i32
      %mul3A_277 = arith.muli %add3A_263, %mul3A_276 : i32
      %add3A_278 = arith.addi %mul3A_277, %mul3A_2 : i32
      %dma_start3A_279 = arith.constant 0 : i32
      %dma_start3A_280 = tpu.memref_slice %arg4[%add3A_278, %dma_start3A_279] : memref<819200x32xf32, #tpu.memory_space<hbm>> -> memref<512x32xf32, #tpu.memory_space<hbm>>
      %dma_start3A_281 = arith.constant 0 : i32
      %dma_start3A_282 = tpu.memref_slice %arg4[%add3A_278, %dma_start3A_281] : memref<819200x32xf32, #tpu.memory_space<hbm>> -> memref<512x32xf32, #tpu.memory_space<hbm>>
      tpu.enqueue_dma source(%arg14 : memref<512x32xf32, #tpu.memory_space<vmem>>) target(%dma_start3A_282 : memref<512x32xf32, #tpu.memory_space<hbm>>) target_semaphore(%arg24 : memref<!tpu.dma_semaphore, #tpu.memory_space<semaphore_mem>>)
    }
    %scan3A_85 = arith.constant 8 : i32
    %dma_wait3A_86 = arith.constant 0 : i32
    %dma_wait3A_87 = tpu.memref_slice %arg4[%mul3A_2, %dma_wait3A_86] : memref<819200x32xf32, #tpu.memory_space<hbm>> -> memref<512x32xf32, #tpu.memory_space<hbm>>
    %dma_wait3A_88 = arith.constant 0 : i32
    %dma_wait3A_89 = tpu.memref_slice %arg4[%mul3A_2, %dma_wait3A_88] : memref<819200x32xf32, #tpu.memory_space<hbm>> -> memref<512x32xf32, #tpu.memory_space<hbm>>
    tpu.wait_dma2 semaphore(%arg22 : memref<!tpu.dma_semaphore, #tpu.memory_space<semaphore_mem>>) src(%arg12 : memref<512x32xf32, #tpu.memory_space<vmem>>) dst(%dma_wait3A_89 : memref<512x32xf32, #tpu.memory_space<hbm>>)
    %run_scoped3A_90 = arith.constant 47 : i32
    "tpu.region"() ({
      %run_scoped3A_175 = tpu.sem_alloc : memref<!tpu.dma_semaphore, #tpu.memory_space<semaphore_mem>>
      %dma_start3A_176 = tpu.memref_slice %arg3[%run_scoped3A_90, %mul3A_2] : memref<50x16384xi32, #tpu.memory_space<hbm>> -> memref<1x512xi32, #tpu.memory_space<hbm>>
      %dma_start3A_177 = tpu.memref_squeeze %dma_start3A_176 : memref<1x512xi32, #tpu.memory_space<hbm>> -> memref<512xi32, #tpu.memory_space<hbm>>
      %dma_start3A_178 = tpu.memref_slice %arg3[%run_scoped3A_90, %mul3A_2] : memref<50x16384xi32, #tpu.memory_space<hbm>> -> memref<1x512xi32, #tpu.memory_space<hbm>>
      %dma_start3A_179 = tpu.memref_squeeze %dma_start3A_178 : memref<1x512xi32, #tpu.memory_space<hbm>> -> memref<512xi32, #tpu.memory_space<hbm>>
      tpu.enqueue_dma source(%dma_start3A_179 : memref<512xi32, #tpu.memory_space<hbm>>) target(%arg7 : memref<512xi32, #tpu.memory_space<vmem>>) target_semaphore(%run_scoped3A_175 : memref<!tpu.dma_semaphore, #tpu.memory_space<semaphore_mem>>)
      %dma_wait3A_180 = tpu.memref_slice %arg3[%run_scoped3A_90, %mul3A_2] : memref<50x16384xi32, #tpu.memory_space<hbm>> -> memref<1x512xi32, #tpu.memory_space<hbm>>
      %dma_wait3A_181 = tpu.memref_squeeze %dma_wait3A_180 : memref<1x512xi32, #tpu.memory_space<hbm>> -> memref<512xi32, #tpu.memory_space<hbm>>
      %dma_wait3A_182 = tpu.memref_slice %arg3[%run_scoped3A_90, %mul3A_2] : memref<50x16384xi32, #tpu.memory_space<hbm>> -> memref<1x512xi32, #tpu.memory_space<hbm>>
      %dma_wait3A_183 = tpu.memref_squeeze %dma_wait3A_182 : memref<1x512xi32, #tpu.memory_space<hbm>> -> memref<512xi32, #tpu.memory_space<hbm>>
      tpu.wait_dma2 semaphore(%run_scoped3A_175 : memref<!tpu.dma_semaphore, #tpu.memory_space<semaphore_mem>>) src(%dma_wait3A_183 : memref<512xi32, #tpu.memory_space<hbm>>) dst(%arg7 : memref<512xi32, #tpu.memory_space<vmem>>)
      tpu.yield
    }) : () -> ()
    %dma_start3A_91 = arith.constant 0 : i32
    %dma_start3A_92 = arith.constant 0 : i32
    %dma_start3A_93 = tpu.memref_slice %arg2[%dma_start3A_91, %dma_start3A_92] : memref<1000000x32xf32, #tpu.memory_space<hbm>> -> memref<1000000x32xf32, #tpu.memory_space<hbm>>
    tpu.enqueue_indirect_dma source(%dma_start3A_93 : memref<1000000x32xf32, #tpu.memory_space<hbm>>) target(%arg12 : memref<512x32xf32, #tpu.memory_space<vmem>>) offsets(%arg7 : memref<512xi32, #tpu.memory_space<vmem>>) semaphore(%arg17 : memref<!tpu.dma_semaphore, #tpu.memory_space<semaphore_mem>>)
    %dma_wait3A_94 = arith.constant 0 : i32
    %dma_wait3A_95 = arith.constant 0 : i32
    %dma_wait3A_96 = tpu.memref_slice %arg2[%dma_wait3A_94, %dma_wait3A_95] : memref<1000000x32xf32, #tpu.memory_space<hbm>> -> memref<1000000x32xf32, #tpu.memory_space<hbm>>
    tpu.wait_indirect_dma semaphore(%arg15 : memref<!tpu.dma_semaphore, #tpu.memory_space<semaphore_mem>>) src(%dma_wait3A_96 : memref<1000000x32xf32, #tpu.memory_space<hbm>>) dst(%arg10 : memref<512x32xf32, #tpu.memory_space<vmem>>)
    %add3A_97 = arith.constant 737280 : i32
    %add3A_98 = arith.addi %add3A_97, %mul3A_2 : i32
    %dma_start3A_99 = arith.constant 0 : i32
    %dma_start3A_100 = tpu.memref_slice %arg4[%add3A_98, %dma_start3A_99] : memref<819200x32xf32, #tpu.memory_space<hbm>> -> memref<512x32xf32, #tpu.memory_space<hbm>>
    %dma_start3A_101 = arith.constant 0 : i32
    %dma_start3A_102 = tpu.memref_slice %arg4[%add3A_98, %dma_start3A_101] : memref<819200x32xf32, #tpu.memory_space<hbm>> -> memref<512x32xf32, #tpu.memory_space<hbm>>
    tpu.enqueue_dma source(%arg10 : memref<512x32xf32, #tpu.memory_space<vmem>>) target(%dma_start3A_102 : memref<512x32xf32, #tpu.memory_space<hbm>>) target_semaphore(%arg20 : memref<!tpu.dma_semaphore, #tpu.memory_space<semaphore_mem>>)
    %dma_wait3A_103 = arith.constant 0 : i32
    %dma_wait3A_104 = tpu.memref_slice %arg4[%mul3A_2, %dma_wait3A_103] : memref<819200x32xf32, #tpu.memory_space<hbm>> -> memref<512x32xf32, #tpu.memory_space<hbm>>
    %dma_wait3A_105 = arith.constant 0 : i32
    %dma_wait3A_106 = tpu.memref_slice %arg4[%mul3A_2, %dma_wait3A_105] : memref<819200x32xf32, #tpu.memory_space<hbm>> -> memref<512x32xf32, #tpu.memory_space<hbm>>
    tpu.wait_dma2 semaphore(%arg23 : memref<!tpu.dma_semaphore, #tpu.memory_space<semaphore_mem>>) src(%arg13 : memref<512x32xf32, #tpu.memory_space<vmem>>) dst(%dma_wait3A_106 : memref<512x32xf32, #tpu.memory_space<hbm>>)
    %run_scoped3A_107 = arith.constant 48 : i32
    "tpu.region"() ({
      %run_scoped3A_175 = tpu.sem_alloc : memref<!tpu.dma_semaphore, #tpu.memory_space<semaphore_mem>>
      %dma_start3A_176 = tpu.memref_slice %arg3[%run_scoped3A_107, %mul3A_2] : memref<50x16384xi32, #tpu.memory_space<hbm>> -> memref<1x512xi32, #tpu.memory_space<hbm>>
      %dma_start3A_177 = tpu.memref_squeeze %dma_start3A_176 : memref<1x512xi32, #tpu.memory_space<hbm>> -> memref<512xi32, #tpu.memory_space<hbm>>
      %dma_start3A_178 = tpu.memref_slice %arg3[%run_scoped3A_107, %mul3A_2] : memref<50x16384xi32, #tpu.memory_space<hbm>> -> memref<1x512xi32, #tpu.memory_space<hbm>>
      %dma_start3A_179 = tpu.memref_squeeze %dma_start3A_178 : memref<1x512xi32, #tpu.memory_space<hbm>> -> memref<512xi32, #tpu.memory_space<hbm>>
      tpu.enqueue_dma source(%dma_start3A_179 : memref<512xi32, #tpu.memory_space<hbm>>) target(%arg8 : memref<512xi32, #tpu.memory_space<vmem>>) target_semaphore(%run_scoped3A_175 : memref<!tpu.dma_semaphore, #tpu.memory_space<semaphore_mem>>)
      %dma_wait3A_180 = tpu.memref_slice %arg3[%run_scoped3A_107, %mul3A_2] : memref<50x16384xi32, #tpu.memory_space<hbm>> -> memref<1x512xi32, #tpu.memory_space<hbm>>
      %dma_wait3A_181 = tpu.memref_squeeze %dma_wait3A_180 : memref<1x512xi32, #tpu.memory_space<hbm>> -> memref<512xi32, #tpu.memory_space<hbm>>
      %dma_wait3A_182 = tpu.memref_slice %arg3[%run_scoped3A_107, %mul3A_2] : memref<50x16384xi32, #tpu.memory_space<hbm>> -> memref<1x512xi32, #tpu.memory_space<hbm>>
      %dma_wait3A_183 = tpu.memref_squeeze %dma_wait3A_182 : memref<1x512xi32, #tpu.memory_space<hbm>> -> memref<512xi32, #tpu.memory_space<hbm>>
      tpu.wait_dma2 semaphore(%run_scoped3A_175 : memref<!tpu.dma_semaphore, #tpu.memory_space<semaphore_mem>>) src(%dma_wait3A_183 : memref<512xi32, #tpu.memory_space<hbm>>) dst(%arg8 : memref<512xi32, #tpu.memory_space<vmem>>)
      tpu.yield
    }) : () -> ()
    %dma_start3A_108 = arith.constant 0 : i32
    %dma_start3A_109 = arith.constant 0 : i32
    %dma_start3A_110 = tpu.memref_slice %arg2[%dma_start3A_108, %dma_start3A_109] : memref<1000000x32xf32, #tpu.memory_space<hbm>> -> memref<1000000x32xf32, #tpu.memory_space<hbm>>
    tpu.enqueue_indirect_dma source(%dma_start3A_110 : memref<1000000x32xf32, #tpu.memory_space<hbm>>) target(%arg13 : memref<512x32xf32, #tpu.memory_space<vmem>>) offsets(%arg8 : memref<512xi32, #tpu.memory_space<vmem>>) semaphore(%arg18 : memref<!tpu.dma_semaphore, #tpu.memory_space<semaphore_mem>>)
    %dma_wait3A_111 = arith.constant 0 : i32
    %dma_wait3A_112 = arith.constant 0 : i32
    %dma_wait3A_113 = tpu.memref_slice %arg2[%dma_wait3A_111, %dma_wait3A_112] : memref<1000000x32xf32, #tpu.memory_space<hbm>> -> memref<1000000x32xf32, #tpu.memory_space<hbm>>
    tpu.wait_indirect_dma semaphore(%arg16 : memref<!tpu.dma_semaphore, #tpu.memory_space<semaphore_mem>>) src(%dma_wait3A_113 : memref<1000000x32xf32, #tpu.memory_space<hbm>>) dst(%arg11 : memref<512x32xf32, #tpu.memory_space<vmem>>)
    %add3A_114 = arith.constant 753664 : i32
    %add3A_115 = arith.addi %add3A_114, %mul3A_2 : i32
    %dma_start3A_116 = arith.constant 0 : i32
    %dma_start3A_117 = tpu.memref_slice %arg4[%add3A_115, %dma_start3A_116] : memref<819200x32xf32, #tpu.memory_space<hbm>> -> memref<512x32xf32, #tpu.memory_space<hbm>>
    %dma_start3A_118 = arith.constant 0 : i32
    %dma_start3A_119 = tpu.memref_slice %arg4[%add3A_115, %dma_start3A_118] : memref<819200x32xf32, #tpu.memory_space<hbm>> -> memref<512x32xf32, #tpu.memory_space<hbm>>
    tpu.enqueue_dma source(%arg11 : memref<512x32xf32, #tpu.memory_space<vmem>>) target(%dma_start3A_119 : memref<512x32xf32, #tpu.memory_space<hbm>>) target_semaphore(%arg21 : memref<!tpu.dma_semaphore, #tpu.memory_space<semaphore_mem>>)
    %dma_wait3A_120 = arith.constant 0 : i32
    %dma_wait3A_121 = tpu.memref_slice %arg4[%mul3A_2, %dma_wait3A_120] : memref<819200x32xf32, #tpu.memory_space<hbm>> -> memref<512x32xf32, #tpu.memory_space<hbm>>
    %dma_wait3A_122 = arith.constant 0 : i32
    %dma_wait3A_123 = tpu.memref_slice %arg4[%mul3A_2, %dma_wait3A_122] : memref<819200x32xf32, #tpu.memory_space<hbm>> -> memref<512x32xf32, #tpu.memory_space<hbm>>
    tpu.wait_dma2 semaphore(%arg24 : memref<!tpu.dma_semaphore, #tpu.memory_space<semaphore_mem>>) src(%arg14 : memref<512x32xf32, #tpu.memory_space<vmem>>) dst(%dma_wait3A_123 : memref<512x32xf32, #tpu.memory_space<hbm>>)
    %run_scoped3A_124 = arith.constant 49 : i32
    "tpu.region"() ({
      %run_scoped3A_175 = tpu.sem_alloc : memref<!tpu.dma_semaphore, #tpu.memory_space<semaphore_mem>>
      %dma_start3A_176 = tpu.memref_slice %arg3[%run_scoped3A_124, %mul3A_2] : memref<50x16384xi32, #tpu.memory_space<hbm>> -> memref<1x512xi32, #tpu.memory_space<hbm>>
      %dma_start3A_177 = tpu.memref_squeeze %dma_start3A_176 : memref<1x512xi32, #tpu.memory_space<hbm>> -> memref<512xi32, #tpu.memory_space<hbm>>
      %dma_start3A_178 = tpu.memref_slice %arg3[%run_scoped3A_124, %mul3A_2] : memref<50x16384xi32, #tpu.memory_space<hbm>> -> memref<1x512xi32, #tpu.memory_space<hbm>>
      %dma_start3A_179 = tpu.memref_squeeze %dma_start3A_178 : memref<1x512xi32, #tpu.memory_space<hbm>> -> memref<512xi32, #tpu.memory_space<hbm>>
      tpu.enqueue_dma source(%dma_start3A_179 : memref<512xi32, #tpu.memory_space<hbm>>) target(%arg9 : memref<512xi32, #tpu.memory_space<vmem>>) target_semaphore(%run_scoped3A_175 : memref<!tpu.dma_semaphore, #tpu.memory_space<semaphore_mem>>)
      %dma_wait3A_180 = tpu.memref_slice %arg3[%run_scoped3A_124, %mul3A_2] : memref<50x16384xi32, #tpu.memory_space<hbm>> -> memref<1x512xi32, #tpu.memory_space<hbm>>
      %dma_wait3A_181 = tpu.memref_squeeze %dma_wait3A_180 : memref<1x512xi32, #tpu.memory_space<hbm>> -> memref<512xi32, #tpu.memory_space<hbm>>
      %dma_wait3A_182 = tpu.memref_slice %arg3[%run_scoped3A_124, %mul3A_2] : memref<50x16384xi32, #tpu.memory_space<hbm>> -> memref<1x512xi32, #tpu.memory_space<hbm>>
      %dma_wait3A_183 = tpu.memref_squeeze %dma_wait3A_182 : memref<1x512xi32, #tpu.memory_space<hbm>> -> memref<512xi32, #tpu.memory_space<hbm>>
      tpu.wait_dma2 semaphore(%run_scoped3A_175 : memref<!tpu.dma_semaphore, #tpu.memory_space<semaphore_mem>>) src(%dma_wait3A_183 : memref<512xi32, #tpu.memory_space<hbm>>) dst(%arg9 : memref<512xi32, #tpu.memory_space<vmem>>)
      tpu.yield
    }) : () -> ()
    %dma_start3A_125 = arith.constant 0 : i32
    %dma_start3A_126 = arith.constant 0 : i32
    %dma_start3A_127 = tpu.memref_slice %arg2[%dma_start3A_125, %dma_start3A_126] : memref<1000000x32xf32, #tpu.memory_space<hbm>> -> memref<1000000x32xf32, #tpu.memory_space<hbm>>
    tpu.enqueue_indirect_dma source(%dma_start3A_127 : memref<1000000x32xf32, #tpu.memory_space<hbm>>) target(%arg14 : memref<512x32xf32, #tpu.memory_space<vmem>>) offsets(%arg9 : memref<512xi32, #tpu.memory_space<vmem>>) semaphore(%arg19 : memref<!tpu.dma_semaphore, #tpu.memory_space<semaphore_mem>>)
    %dma_wait3A_128 = arith.constant 0 : i32
    %dma_wait3A_129 = arith.constant 0 : i32
    %dma_wait3A_130 = tpu.memref_slice %arg2[%dma_wait3A_128, %dma_wait3A_129] : memref<1000000x32xf32, #tpu.memory_space<hbm>> -> memref<1000000x32xf32, #tpu.memory_space<hbm>>
    tpu.wait_indirect_dma semaphore(%arg17 : memref<!tpu.dma_semaphore, #tpu.memory_space<semaphore_mem>>) src(%dma_wait3A_130 : memref<1000000x32xf32, #tpu.memory_space<hbm>>) dst(%arg12 : memref<512x32xf32, #tpu.memory_space<vmem>>)
    %add3A_131 = arith.constant 770048 : i32
    %add3A_132 = arith.addi %add3A_131, %mul3A_2 : i32
    %dma_start3A_133 = arith.constant 0 : i32
    %dma_start3A_134 = tpu.memref_slice %arg4[%add3A_132, %dma_start3A_133] : memref<819200x32xf32, #tpu.memory_space<hbm>> -> memref<512x32xf32, #tpu.memory_space<hbm>>
    %dma_start3A_135 = arith.constant 0 : i32
    %dma_start3A_136 = tpu.memref_slice %arg4[%add3A_132, %dma_start3A_135] : memref<819200x32xf32, #tpu.memory_space<hbm>> -> memref<512x32xf32, #tpu.memory_space<hbm>>
    tpu.enqueue_dma source(%arg12 : memref<512x32xf32, #tpu.memory_space<vmem>>) target(%dma_start3A_136 : memref<512x32xf32, #tpu.memory_space<hbm>>) target_semaphore(%arg22 : memref<!tpu.dma_semaphore, #tpu.memory_space<semaphore_mem>>)
    %dma_wait3A_137 = arith.constant 0 : i32
    %dma_wait3A_138 = arith.constant 0 : i32
    %dma_wait3A_139 = tpu.memref_slice %arg2[%dma_wait3A_137, %dma_wait3A_138] : memref<1000000x32xf32, #tpu.memory_space<hbm>> -> memref<1000000x32xf32, #tpu.memory_space<hbm>>
    tpu.wait_indirect_dma semaphore(%arg18 : memref<!tpu.dma_semaphore, #tpu.memory_space<semaphore_mem>>) src(%dma_wait3A_139 : memref<1000000x32xf32, #tpu.memory_space<hbm>>) dst(%arg13 : memref<512x32xf32, #tpu.memory_space<vmem>>)
    %add3A_140 = arith.constant 786432 : i32
    %add3A_141 = arith.addi %add3A_140, %mul3A_2 : i32
    %dma_start3A_142 = arith.constant 0 : i32
    %dma_start3A_143 = tpu.memref_slice %arg4[%add3A_141, %dma_start3A_142] : memref<819200x32xf32, #tpu.memory_space<hbm>> -> memref<512x32xf32, #tpu.memory_space<hbm>>
    %dma_start3A_144 = arith.constant 0 : i32
    %dma_start3A_145 = tpu.memref_slice %arg4[%add3A_141, %dma_start3A_144] : memref<819200x32xf32, #tpu.memory_space<hbm>> -> memref<512x32xf32, #tpu.memory_space<hbm>>
    tpu.enqueue_dma source(%arg13 : memref<512x32xf32, #tpu.memory_space<vmem>>) target(%dma_start3A_145 : memref<512x32xf32, #tpu.memory_space<hbm>>) target_semaphore(%arg23 : memref<!tpu.dma_semaphore, #tpu.memory_space<semaphore_mem>>)
    %dma_wait3A_146 = arith.constant 0 : i32
    %dma_wait3A_147 = arith.constant 0 : i32
    %dma_wait3A_148 = tpu.memref_slice %arg2[%dma_wait3A_146, %dma_wait3A_147] : memref<1000000x32xf32, #tpu.memory_space<hbm>> -> memref<1000000x32xf32, #tpu.memory_space<hbm>>
    tpu.wait_indirect_dma semaphore(%arg19 : memref<!tpu.dma_semaphore, #tpu.memory_space<semaphore_mem>>) src(%dma_wait3A_148 : memref<1000000x32xf32, #tpu.memory_space<hbm>>) dst(%arg14 : memref<512x32xf32, #tpu.memory_space<vmem>>)
    %add3A_149 = arith.constant 802816 : i32
    %add3A_150 = arith.addi %add3A_149, %mul3A_2 : i32
    %dma_start3A_151 = arith.constant 0 : i32
    %dma_start3A_152 = tpu.memref_slice %arg4[%add3A_150, %dma_start3A_151] : memref<819200x32xf32, #tpu.memory_space<hbm>> -> memref<512x32xf32, #tpu.memory_space<hbm>>
    %dma_start3A_153 = arith.constant 0 : i32
    %dma_start3A_154 = tpu.memref_slice %arg4[%add3A_150, %dma_start3A_153] : memref<819200x32xf32, #tpu.memory_space<hbm>> -> memref<512x32xf32, #tpu.memory_space<hbm>>
    tpu.enqueue_dma source(%arg14 : memref<512x32xf32, #tpu.memory_space<vmem>>) target(%dma_start3A_154 : memref<512x32xf32, #tpu.memory_space<hbm>>) target_semaphore(%arg24 : memref<!tpu.dma_semaphore, #tpu.memory_space<semaphore_mem>>)
    %dma_wait3A_155 = arith.constant 0 : i32
    %dma_wait3A_156 = tpu.memref_slice %arg4[%mul3A_2, %dma_wait3A_155] : memref<819200x32xf32, #tpu.memory_space<hbm>> -> memref<512x32xf32, #tpu.memory_space<hbm>>
    %dma_wait3A_157 = arith.constant 0 : i32
    %dma_wait3A_158 = tpu.memref_slice %arg4[%mul3A_2, %dma_wait3A_157] : memref<819200x32xf32, #tpu.memory_space<hbm>> -> memref<512x32xf32, #tpu.memory_space<hbm>>
    tpu.wait_dma2 semaphore(%arg20 : memref<!tpu.dma_semaphore, #tpu.memory_space<semaphore_mem>>) src(%arg10 : memref<512x32xf32, #tpu.memory_space<vmem>>) dst(%dma_wait3A_158 : memref<512x32xf32, #tpu.memory_space<hbm>>)
    %dma_wait3A_159 = arith.constant 0 : i32
    %dma_wait3A_160 = tpu.memref_slice %arg4[%mul3A_2, %dma_wait3A_159] : memref<819200x32xf32, #tpu.memory_space<hbm>> -> memref<512x32xf32, #tpu.memory_space<hbm>>
    %dma_wait3A_161 = arith.constant 0 : i32
    %dma_wait3A_162 = tpu.memref_slice %arg4[%mul3A_2, %dma_wait3A_161] : memref<819200x32xf32, #tpu.memory_space<hbm>> -> memref<512x32xf32, #tpu.memory_space<hbm>>
    tpu.wait_dma2 semaphore(%arg21 : memref<!tpu.dma_semaphore, #tpu.memory_space<semaphore_mem>>) src(%arg11 : memref<512x32xf32, #tpu.memory_space<vmem>>) dst(%dma_wait3A_162 : memref<512x32xf32, #tpu.memory_space<hbm>>)
    %dma_wait3A_163 = arith.constant 0 : i32
    %dma_wait3A_164 = tpu.memref_slice %arg4[%mul3A_2, %dma_wait3A_163] : memref<819200x32xf32, #tpu.memory_space<hbm>> -> memref<512x32xf32, #tpu.memory_space<hbm>>
    %dma_wait3A_165 = arith.constant 0 : i32
    %dma_wait3A_166 = tpu.memref_slice %arg4[%mul3A_2, %dma_wait3A_165] : memref<819200x32xf32, #tpu.memory_space<hbm>> -> memref<512x32xf32, #tpu.memory_space<hbm>>
    tpu.wait_dma2 semaphore(%arg22 : memref<!tpu.dma_semaphore, #tpu.memory_space<semaphore_mem>>) src(%arg12 : memref<512x32xf32, #tpu.memory_space<vmem>>) dst(%dma_wait3A_166 : memref<512x32xf32, #tpu.memory_space<hbm>>)
    %dma_wait3A_167 = arith.constant 0 : i32
    %dma_wait3A_168 = tpu.memref_slice %arg4[%mul3A_2, %dma_wait3A_167] : memref<819200x32xf32, #tpu.memory_space<hbm>> -> memref<512x32xf32, #tpu.memory_space<hbm>>
    %dma_wait3A_169 = arith.constant 0 : i32
    %dma_wait3A_170 = tpu.memref_slice %arg4[%mul3A_2, %dma_wait3A_169] : memref<819200x32xf32, #tpu.memory_space<hbm>> -> memref<512x32xf32, #tpu.memory_space<hbm>>
    tpu.wait_dma2 semaphore(%arg23 : memref<!tpu.dma_semaphore, #tpu.memory_space<semaphore_mem>>) src(%arg13 : memref<512x32xf32, #tpu.memory_space<vmem>>) dst(%dma_wait3A_170 : memref<512x32xf32, #tpu.memory_space<hbm>>)
    %dma_wait3A_171 = arith.constant 0 : i32
    %dma_wait3A_172 = tpu.memref_slice %arg4[%mul3A_2, %dma_wait3A_171] : memref<819200x32xf32, #tpu.memory_space<hbm>> -> memref<512x32xf32, #tpu.memory_space<hbm>>
    %dma_wait3A_173 = arith.constant 0 : i32
    %dma_wait3A_174 = tpu.memref_slice %arg4[%mul3A_2, %dma_wait3A_173] : memref<819200x32xf32, #tpu.memory_space<hbm>> -> memref<512x32xf32, #tpu.memory_space<hbm>>
    tpu.wait_dma2 semaphore(%arg24 : memref<!tpu.dma_semaphore, #tpu.memory_space<semaphore_mem>>) src(%arg14 : memref<512x32xf32, #tpu.memory_space<vmem>>) dst(%dma_wait3A_174 : memref<512x32xf32, #tpu.memory_space<hbm>>)
    return
  }
}

</mosaic_0001>

<sc_bundles>
// kernel: kernel.3.cloned.1.call-start
scs
__scs_entry_jumppad:
0x0: {  	(pc) =	sbr.rel $0x88, $3  }
0x1: {  	(tag) =	ssettag $0x0;
	lr =	simm.s32 $0x1  }
0x2: {  	[smem:$0x3F9F] =	sst lr;
	_ =	strace $0xD0000000  }
0x3: {  	_ = 	snop  }
0x4: {  	_ = 	snop  }
0x5: {  	_ = 	snop  }
0x6: {  	_ = 	snop  }
0x7: {  	_ = 	snop  }
__scs_overlays_trampoline_lowered:
0x8: {  	[smem:$0x3FAE] =	sst s0  }
0x9: {  	[smem:$0x3FAF] =	sst s1  }
0xa: {  	[smem:$0x3FB0] =	sst s2  }
0xb: {  	[smem:$0x3FB1] =	sst s3  }
0xc: {  	[smem:$0x3FB2] =	sst s4  }
0xd: {  	[smem:$0x3FB3] =	sst s5  }
0xe: {  	[smem:$0x3FB4] =	sst s6  }
0xf: {  	[smem:$0x3FB5] =	sst s7  }
0x10: {  	[smem:$0x3FB6] =	sst s8  }
0x11: {  	[smem:$0x3FB7] =	sst s9;
	s0 =	simm.s32 @!p0 $0x0  }
0x12: {  	s1 =	sld [smem:$0x3F9D];
	s0 =	simm.s32 @p0 $0x1  }
0x13: {  	[smem:$0x3FB8] =	sst s0;
	s0 =	simm.s32 @!p1 $0x0  }
0x14: {  	s2 =	sld [smem:$0x3F9C];
	s0 =	simm.s32 @p1 $0x1  }
0x15: {  	[smem:$0x3FB9] =	sst s0;
	s0 =	simm.s32 @!p2 $0x0  }
0x16: {  	s3 =	sld [smem:$0x3FDB];
	s0 =	simm.s32 @p2 $0x1  }
0x17: {  	s4 =	simm.s32 $0x1BF5;
	[smem:$0x3FBB] =	sst s0  }
0x18: {  	s0 =	sld [smem:$0x3F9E];
	_ =	swait.ge [sflag:s4], $0x0  }
0x19: {  	s7 =	sld [smem:$0x3F9F]  }
0x1a: {  	s8 =	sadd.s32 $0xFFFFE003, lr  }
0x1b: {  	s9 =	sadd.s32 $0xFFFFFEF7, lr;
	s5 =	simm.s32 $0xFFFFFFFF;
	p2 =	slt.u32 s8, $0xFFFFF086  }
0x1c: {  	p1 =	slt.u32 s9, $0xF7A;
	s5 =	simm.s32 @!p2 $0x0  }
0x1d: {  	s5 =	simm.s32 @p1 $0x1;
	p0 =	seq.s32 s7, s2  }
0x1e: {  	s7 =	smul.u32 @!p0 $0xF7A, s2;
	p2 =	seq.s32 @!p0 s5, $0x0  }
0x1f: {  	s9 =	smul.u32 $0xF7A, s1;
	s8 =	simm.s32 @!p0 $0x1BF5;
	p2 =	por !p2, p0  }
0x20: {  	[sflag:s8] =	ssyncset.s32 @!p0 $0xFFFFF086;
	s6 =	sadd.s32 @!p0 s3, s7;
	s7 =	simm.s32 @!p0 $0x108  }
0x21: {  	s3 =	sadd.s32 s3, s9;
	s6 =	sadd.s32 @!p0 $0x88, s6;
	s7 =	simm.s32 @p2 $0x1082  }
0x22: {  	[simem:s7], [sflag:s8] =	dma.local @!p0 [hbm:s6], $0xF7A  }
0x23: {  	s9 =	sor.u32 $0xD0000000, s2;
	s6 =	simm.s32 $0x108;
	_ =	swait.ge @!p0 [sflag:s8], $0x0  }
0x24: {  	s3 =	sadd.s32 $0x88, s3;
	s6 =	simm.s32 @!p1 $0x1082;
	[sflag:s4] =	ssyncset.s32 $0xFFFFF086  }
0x25: {  	[simem:s6], [sflag:s4] =	dma.local [hbm:s3], $0xF7A  }
0x26: {  	[smem:$0x3F9F] =	sst s1;
	(tag) =	ssettag s2;
	_ =	strace s9  }
0x27: {  	s1 =	sld [smem:$0x3FAF]  }
0x28: {  	s2 =	sld [smem:$0x3FB0]  }
0x29: {  	s4 =	sld [smem:$0x3FB2]  }
0x2a: {  	p0 =	seq.s32 s5, $0x0;
	s5 =	sld [smem:$0x3FB3]  }
0x2b: {  	s6 =	sld [smem:$0x3FB4]  }
0x2c: {  	s7 =	sld [smem:$0x3FB5]  }
0x2d: {  	s3 =	simm.s32 $0x108;
	s8 =	sld [smem:$0x3FB6]  }
0x2e: {  	s3 =	simm.s32 @!p0 $0x1082;
	s9 =	sld [smem:$0x3FB7]  }
0x2f: {  	lr =	sadd.s32 s0, s3;
	s0 =	sld [smem:$0x3FAE]  }
0x30: {  	s3 =	sld [smem:$0x3FB1]  }
0x31: {  	[smem:$0x3FBA] =	sst s10  }
0x32: {  	s10 =	sld [smem:$0x3FB8];
	_ =	sdelay $0x3  }
0x33: {  	p0 =	seq.s32 s10, $0x1;
	s10 =	sld [smem:$0x3FBA];
	_ =	sdelay $0x3  }
0x34: {  	[smem:$0x3FBA] =	sst s10  }
0x35: {  	s10 =	sld [smem:$0x3FB9];
	_ =	sdelay $0x3  }
0x36: {  	p1 =	seq.s32 s10, $0x1;
	s10 =	sld [smem:$0x3FBA];
	_ =	sdelay $0x3  }
0x37: {  	[smem:$0x3FBA] =	sst s10  }
0x38: {  	s10 =	sld [smem:$0x3FBB]  }
0x39: {  	_ = 	snop;
	(pc) =	sbr.ind lr, $3  }
0x3a: {  	_ = 	snop  }
0x3b: {  	_ = 	snop  }
0x3c: {  	p2 =	seq.s32 s10, $0x1;
	s10 =	sld [smem:$0x3FBA]  }
0x3d: {  	_ =	shalt  }
0x3e: {  	_ =	shalt  }
0x3f: {  	_ =	shalt  }
0x40: {  	_ =	shalt  }
0x41: {  	_ =	shalt  }
0x42: {  	_ =	shalt  }
0x43: {  	_ =	shalt  }
0x44: {  	_ =	shalt  }
0x45: {  	_ =	shalt  }
0x46: {  	_ =	shalt  }
0x47: {  	_ =	shalt  }
0x48: {  	_ =	shalt  }
0x49: {  	_ =	shalt  }
0x4a: {  	_ =	shalt  }
0x4b: {  	_ =	shalt  }
0x4c: {  	_ =	shalt  }
0x4d: {  	_ =	shalt  }
0x4e: {  	_ =	shalt  }
0x4f: {  	_ =	shalt  }
0x50: {  	_ =	shalt  }
0x51: {  	_ =	shalt  }
0x52: {  	_ =	shalt  }
0x53: {  	_ =	shalt  }
0x54: {  	_ =	shalt  }
0x55: {  	_ =	shalt  }
0x56: {  	_ =	shalt  }
0x57: {  	_ =	shalt  }
0x58: {  	_ =	shalt  }
0x59: {  	_ =	shalt  }
0x5a: {  	_ =	shalt  }
0x5b: {  	_ =	shalt  }
0x5c: {  	_ =	shalt  }
0x5d: {  	_ =	shalt  }
0x5e: {  	_ =	shalt  }
0x5f: {  	_ =	shalt  }
0x60: {  	_ =	shalt  }
0x61: {  	_ =	shalt  }
0x62: {  	_ =	shalt  }
0x63: {  	_ =	shalt  }
0x64: {  	_ =	shalt  }
0x65: {  	_ =	shalt  }
0x66: {  	_ =	shalt  }
0x67: {  	_ =	shalt  }
0x68: {  	_ =	shalt  }
0x69: {  	_ =	shalt  }
0x6a: {  	_ =	shalt  }
0x6b: {  	_ =	shalt  }
0x6c: {  	_ =	shalt  }
0x6d: {  	_ =	shalt  }
0x6e: {  	_ =	shalt  }
0x6f: {  	_ =	shalt  }
0x70: {  	_ =	shalt  }
0x71: {  	_ =	shalt  }
0x72: {  	_ =	shalt  }
0x73: {  	_ =	shalt  }
0x74: {  	_ =	shalt  }
0x75: {  	_ =	shalt  }
0x76: {  	_ =	shalt  }
0x77: {  	_ =	shalt  }
0x78: {  	_ =	shalt  }
0x79: {  	_ =	shalt  }
0x7a: {  	_ =	shalt  }
0x7b: {  	_ =	shalt  }
0x7c: {  	_ =	shalt  }
0x7d: {  	_ =	shalt  }
0x7e: {  	_ =	shalt  }
0x7f: {  	_ =	shalt  }
0x80: {  	_ =	shalt  }
0x81: {  	_ =	shalt  }
0x82: {  	_ =	shalt  }
0x83: {  	_ =	shalt  }
0x84: {  	_ =	shalt  }
0x85: {  	_ =	shalt  }
0x86: {  	_ =	shalt  }
0x87: {  	_ =	shalt  }
.Lfunc_end0:
.L_simem_size_0:
called_computation.1_lowered:
.L_overlay_start_0:
0x88: {  	s2 =	sld [smem:$0x3FD9]  }
0x89: {  	s3 =	sld [smem:$0x3FFE];
	_ =	sdelay $0x1  }
0x8a: {  	s1 =	srdreg.scid  }
0x8b: {  	s0 =	sand.u32 $0x1, s1  }
0x8c: {  	s17 =	sshll.u32 s0, $0xA;
	s2 =	sadd.s32 s3, s2  }
0x8d: {  	s2 =	sadd.s32 s2, s17  }
0x8e: {  	[smem:$0x3FC6] =	sst s2  }
0x8f: {  	_ = 	snop  }
0x90: {  	s2 =	sld [smem:$0x3FD0];
	(tm) =	ssettm $0x1  }
0x91: {  	s18 =	sld [smem:$0x3FFB];
	_ =	sdelay $0x3  }
0x92: {  	_ =	strace s18  }
0x93: {  	s3 =	sld [smem:$0x3FFC];
	_ =	sdelay $0x3  }
0x94: {  	_ =	strace s3  }
0x95: {  	s3 =	sld [smem:$0x3FFD];
	_ =	sdelay $0x3  }
0x96: {  	_ =	strace s3  }
0x97: {  	_ =	strace $0x8FFFFFFF  }
0x98: {  	s19 =	sld [smem:$0x3FDB];
	_ =	sdelay $0x1  }
0x99: {  	s4 =	simm.s32 $_scs_section_size  }
0x9a: {  	s5 =	simm.s32 $_size__tile_overlayer_lowered;
	s6 =	simm.s32 $_tile_overlayer_lowered  }
0x9b: {  	s22 =	simm.s32 $0x1BFF;
	s21 =	sshll.u32 s6, $0x1;
	s3 =	sadd.s32 s4, s19  }
0x9c: {  	s7 =	simm.s32 $0x0;
	s20 =	sshll.u32 s5, $0x1;
	s5 =	sadd.s32 s21, s3  }
0x9d: {  	[timem:s7], [sflag:s22] =	dma.local [hbm:s5], s20  }
0x9e: {  	_ =	swait.ge [sflag:s22], s20  }
0x9f: {  	s4 =	ssub.s32 $0x0, s20;
	[sflag:s22] =	ssyncset.done $0x0  }
0xa0: {  	[sflag:s22] =	ssyncadd.s32 s4;
	_ =	sdelay $0x1  }
0xa1: {  	s23 =	simm.s32 $0x1B8B  }
0xa2: {  	_ =	swait.ge [sflag:s23], $0x1  }
0xa3: {  	[sflag:s23] =	ssyncset.done $0x0  }
0xa4: {  	s25 =	simm.s32 $0x1B8E;
	s24 =	sld [smem:$0x3FFE];
	[sflag:s23] =	ssyncadd.s32 $0xFFFFFFFF  }
0xa5: {  	s26 =	simm.s32 $execute0_lowered;
	[smem:$0x3FD2] =	sst s25  }
0xa6: {  	s5 =	sshll.u32 s26, $0x1;
	_ =	strace $0x80000046;
	[dreg:$0x1] =	wrdreg $0xFFFFFFFF  }
0xa7: {  	s28 =	simm.s32 $_size_execute0_lowered;
	s3 =	sadd.s32 s3, s5;
	[dreg:$0x0] =	wrdreg $0x0  }
0xa8: {  	s5 =	sshll.u32 s28, $0x1;
	[dreg:$0x2] =	wrdreg s3  }
0xa9: {  	[dreg:$0x3] =	wrdreg s5  }
0xaa: {  	[dreg:$0x4] =	wrdreg $0xC0  }
0xab: {  	_ =	task [dreg:s7], $0x5FFFF  }
0xac: {  	[dreg:$0x1] =	wrdreg $0xFFFFFFFF  }
0xad: {  	[dreg:$0x0] =	wrdreg $0x60  }
0xae: {  	[dreg:$0x2] =	wrdreg s24  }
0xaf: {  	[dreg:$0x3] =	wrdreg s2  }
0xb0: {  	[dreg:$0x4] =	wrdreg $0x9  }
0xb1: {  	_ =	task.clear_ibuf [dreg:s7], $0x5FFFF;
	_ =	strace $0x90000046  }
0xb2: {  	s29 =	simm.s32 $0x9;
	_ =	strace $0x80000048  }
0xb3: {  	_ =	swait.ge [sflag:s29], $0x1  }
0xb4: {  	[sflag:s29] =	ssyncadd.s32 $0xFFFFFFFF  }
0xb5: {  	_ =	strace $0x90000048  }
0xb6: {  	_ =	sfence  }
0xb7: {  	s30 =	sld [smem:$0x0];
	_ =	sdelay $0x2  }
0xb8: {  	s31 =	sshll.u32 s1, $0xD;
	s1 =	sshrl.u32 s1, $0x2  }
0xb9: {  	s3 =	sand.u32 $0x4000, s31;
	s1 =	sadd.s32 s1, s30  }
0xba: {  	s0 =	sor.u32 s3, s0;
	s1 =	sshll.u32 s1, $0x11  }
0xbb: {  	s0 =	sor.u32 s1, s0  }
0xbc: {  	s0 =	sadd.s32 $0x8F2B, s0  }
0xbd: {  	[sflag:s0] =	ssyncadd.remote.s32 $0x1  }
0xbe: {  	_ =	sfence.sel $0xFFFF  }
0xbf: {  	[dreg:$0x0] =	wrdreg $0xFFFFFFFF;
	(pc) =	sbr.abs _section_cstart, $3  }
0xc0: {  	[dreg:$0x1] =	wrdreg $0xFFFFFFFF  }
0xc1: {  	_ =	task.clear_ibuf [dreg:s7], $0x2FFFF;
	_ =	strace $0x9FFFFFFF  }
0xc2: {  	(tm) =	ssettm $0x7FFFFFFF  }
0xc3: {  	_ =	shalt  }
tec
execute0_lowered:
.L_overlay_start_1:
0x0: {  	(tag) =	ssettag $0x1  }
0x1: {  	s0 =	rddreg [dreg:$0x0]  }
0x2: {  	s1 =	rddreg [dreg:$0x1];
	s3 =	srdreg.scid  }
0x3: {  	s2 =	simm.s32 $0x0;
	s9 =	stileid.u32;
	s4 =	sand.u32 $0x1, s3  }
0x4: {  	[smem:$0x7FF] =	sst s2;
	s14 =	sshll.u32 s9, $0xA;
	s7 =	ssub.s32 $0x2, s4  }
0x5: {  	s6 =	sadd.s32 $0xA00, s0;
	s5 =	sshll.u32 s4, $0x9;
	s15 =	sshrl.u32 s7, $0x1  }
0x6: {  	s3 =	sadd.s32 $0xF42E00, s0;
	s5 =	sor.u32 s5, s14;
	s0 =	ssub.s32 s7, s15  }
0x7: {  	_ =	strace $0x80000047;
	s8 =	sshrl.u32 s5, $0x3;
	s0 =	smax.u32 s0, $0x1  }
0x8: {  	s17 =	sshll.u32 s5, $0x2;
	s10 =	sadd.s32 s6, s8;
	[dreg:$0x19] =	wrdreg s0  }
0x9: {  	s11 =	sadd.s32 s1, s17;
	[dreg:$0x4] =	wrdreg s10  }
0xa: {  	s16 =	sadd.s32 $0x800, s10;
	[dreg:$0x7] =	wrdreg s11  }
0xb: {  	s31 =	simm.s32 $0xB;
	s8 =	sadd.s32 $0x1000, s10;
	[dreg:$0x5] =	wrdreg s16  }
0xc: {  	s28 =	simm.s32 $0xA;
	s18 =	sadd.s32 $0x1800, s10;
	[dreg:$0x6] =	wrdreg s8  }
0xd: {  	s29 =	simm.s32 $0x0;
	s19 =	sadd.s32 $0x10000, s11;
	[dreg:$0x8] =	wrdreg s18  }
0xe: {  	s30 =	sshll.u32 s9, $0xC;
	s20 =	sadd.s32 $0x2000, s10;
	[dreg:$0x9] =	wrdreg s19  }
0xf: {  	s4 =	sshll.u32 s4, $0xB;
	s21 =	sadd.s32 $0x20000, s11;
	[dreg:$0xa] =	wrdreg s20  }
0x10: {  	s13 =	sor.u32 $0x2C000, s5;
	s22 =	sadd.s32 $0x2800, s10;
	[dreg:$0xb] =	wrdreg s21  }
0x11: {  	s14 =	sor.u32 $0x28000, s5;
	s23 =	sadd.s32 $0x30000, s11;
	[dreg:$0xc] =	wrdreg s22  }
0x12: {  	s1 =	sadd.s32 s30, s1;
	s24 =	sadd.s32 $0x3000, s10;
	[dreg:$0xd] =	wrdreg s23  }
0x13: {  	s15 =	sshrl.u32 s13, $0x3;
	s25 =	sadd.s32 $0x40000, s11;
	[dreg:$0xe] =	wrdreg s24  }
0x14: {  	s13 =	simm.s32 $0x800;
	s26 =	sadd.s32 $0x17800, s10;
	[dreg:$0xf] =	wrdreg s25  }
0x15: {  	s9 =	sadd.s32 $0x2D0000, s11;
	s12 =	sadd.s32 $0x18000, s10;
	[dreg:$0x10] =	wrdreg s26  }
0x16: {  	s1 =	sadd.s32 s4, s1;
	s17 =	sadd.s32 s15, s6;
	[dreg:$0x11] =	wrdreg s9  }
0x17: {  	s30 =	sadd.s32 $0x310000, s11;
	s0 =	simm.s32 $0x200;
	[dreg:$0x12] =	wrdreg s12  }
0x18: {  	s15 =	simm.s32 $0x3;
	s16 =	sshrl.u32 s14, $0x3;
	[dreg:$0x3] =	wrdreg s1  }
0x19: {  	[dreg:$0x13] =	wrdreg s17;
	s19 =	sor.u32 $0x24000, s5;
	s20 =	sor.u32 $0x20000, s5  }
0x1a: {  	s5 =	sor.u32 $0x1C000, s5;
	s23 =	sadd.s32 $0x2E0000, s11;
	s24 =	sadd.s32 $0x18800, s10  }
0x1b: {  	s25 =	sadd.s32 $0x2F0000, s11;
	s26 =	sadd.s32 $0x300000, s11;
	[dreg:$0x1d] =	wrdreg s30  }
0x1c: {  	s8 =	simm.s32 $0x8A00;
	s9 =	simm.s32 $0x1;
	s10 =	simm.s32 $0x600  }
0x1d: {  	s11 =	simm.s32 $0xCA00;
	s12 =	simm.s32 $0x2;
	[dreg:$0x18] =	wrdreg s23  }
0x1e: {  	s14 =	simm.s32 $0x10A00;
	s17 =	simm.s32 $0x4;
	[dreg:$0x1a] =	wrdreg s24  }
0x1f: {  	s18 =	sadd.s32 s16, s6;
	s1 =	sshrl.u32 s19, $0x3;
	[dreg:$0x1b] =	wrdreg s25  }
0x20: {  	s4 =	sshrl.u32 s20, $0x3;
	s5 =	sshrl.u32 s5, $0x3;
	[dreg:$0x1c] =	wrdreg s26  }
0x21: {  	s16 =	simm.s32 $0x6;
	s24 =	simm.s32 $0x5;
	s25 =	simm.s32 $0x8  }
0x22: {  	s26 =	simm.s32 $0x9;
	[dreg:$0x14] =	wrdreg s18;
	s1 =	sadd.s32 s1, s6  }
0x23: {  	s21 =	sadd.s32 s4, s6;
	s22 =	sadd.s32 s5, s6;
	[dreg:$0x15] =	wrdreg s1  }
0x24: {  	s5 =	simm.s32 $0x4A00;
	s6 =	simm.s32 $0x400;
	[dreg:$0x16] =	wrdreg s21  }
0x25: {  	s18 =	simm.s32 $0x7;
	[dreg:$0x17] =	wrdreg s22;
	s1 =	simm.s32 $0xA00  }
.LBB2_1:
0x26: {  	s4 =	rddreg [dreg:$0x4]  }
0x27: {  	[tilespmem:s2], [sflag:$0xB] =	stream.linear.gather [hbm4b:s4+s2], $0x200, $0x38;
	[tilespmem:$0x14A00] =	vst v63  }
0x28: {  	_ =	swait.ge [sflag:s31], $0x200  }
0x29: {  	[sflag:s31] =	ssyncset.done $0x0  }
0x2a: {  	[sflag:s31] =	ssyncadd.s32 $0xFFFFFE00  }
0x2b: {  	[tilespmem:s1], [sflag:$0x1] =	stream.indirect.gather [hbm4b:s3+s0], $0x20, s2, s0, $0xb8;
	[tilespmem:$0x14A00] =	vst v63  }
0x2c: {  	s22 =	rddreg [dreg:$0x5]  }
0x2d: {  	[tilespmem:s0], [sflag:$0xB] =	stream.linear.gather [hbm4b:s22+s2], $0x200, $0x38;
	[tilespmem:$0x14A00] =	vst v63  }
0x2e: {  	_ =	swait.ge [sflag:s31], $0x200  }
0x2f: {  	[sflag:s31] =	ssyncset.done $0x0  }
0x30: {  	[sflag:s31] =	ssyncadd.s32 $0xFFFFFE00  }
0x31: {  	[tilespmem:s5], [sflag:$0x2] =	stream.indirect.gather [hbm4b:s3+s0], $0x20, s0, s0, $0xb8;
	[tilespmem:$0x14A00] =	vst v63  }
0x32: {  	s23 =	rddreg [dreg:$0x6]  }
0x33: {  	[tilespmem:s6], [sflag:$0xB] =	stream.linear.gather [hbm4b:s23+s2], $0x200, $0x38;
	[tilespmem:$0x14A00] =	vst v63  }
0x34: {  	_ =	swait.ge [sflag:s31], $0x200  }
0x35: {  	[sflag:s31] =	ssyncset.done $0x0  }
0x36: {  	[sflag:s31] =	ssyncadd.s32 $0xFFFFFE00  }
0x37: {  	[tilespmem:s8], [sflag:$0x3] =	stream.indirect.gather [hbm4b:s3+s0], $0x20, s6, s0, $0xb8;
	[tilespmem:$0x14A00] =	vst v63  }
0x38: {  	_ =	swait.ge [sflag:s9], $0x4000  }
0x39: {  	[sflag:s9] =	ssyncset.done $0x0  }
0x3a: {  	s7 =	rddreg [dreg:$0x7];
	[sflag:s9] =	ssyncadd.s32 $0xFFFFC000  }
0x3b: {  	[hbm4b:s7+s2] =	stream.linear.scatter [tilespmem:s1], [sflag:$0x6], $0x4000, $0x38;
	[tilespmem:$0x14A00] =	vst v63  }
0x3c: {  	s19 =	rddreg [dreg:$0x8]  }
0x3d: {  	[tilespmem:s10], [sflag:$0xB] =	stream.linear.gather [hbm4b:s19+s2], $0x200, $0x38;
	[tilespmem:$0x14A00] =	vst v63  }
0x3e: {  	_ =	swait.ge [sflag:s31], $0x200  }
0x3f: {  	[sflag:s31] =	ssyncset.done $0x0  }
0x40: {  	[sflag:s31] =	ssyncadd.s32 $0xFFFFFE00  }
0x41: {  	[tilespmem:s11], [sflag:$0x4] =	stream.indirect.gather [hbm4b:s3+s0], $0x20, s10, s0, $0xb8;
	[tilespmem:$0x14A00] =	vst v63  }
0x42: {  	_ =	swait.ge [sflag:s12], $0x4000  }
0x43: {  	[sflag:s12] =	ssyncset.done $0x0  }
0x44: {  	s20 =	rddreg [dreg:$0x9];
	[sflag:s12] =	ssyncadd.s32 $0xFFFFC000  }
0x45: {  	[hbm4b:s20+s2] =	stream.linear.scatter [tilespmem:s5], [sflag:$0x7], $0x4000, $0x38;
	[tilespmem:$0x14A00] =	vst v63  }
0x46: {  	s21 =	rddreg [dreg:$0xa]  }
0x47: {  	[tilespmem:s13], [sflag:$0xB] =	stream.linear.gather [hbm4b:s21+s2], $0x200, $0x38;
	[tilespmem:$0x14A00] =	vst v63  }
0x48: {  	_ =	swait.ge [sflag:s31], $0x200  }
0x49: {  	[sflag:s31] =	ssyncset.done $0x0  }
0x4a: {  	[sflag:s31] =	ssyncadd.s32 $0xFFFFFE00  }
0x4b: {  	[tilespmem:s14], [sflag:$0x5] =	stream.indirect.gather [hbm4b:s3+s0], $0x20, s13, s0, $0xb8;
	[tilespmem:$0x14A00] =	vst v63  }
0x4c: {  	_ =	swait.ge [sflag:s15], $0x4000  }
0x4d: {  	[sflag:s15] =	ssyncset.done $0x0  }
0x4e: {  	s22 =	rddreg [dreg:$0xb];
	[sflag:s15] =	ssyncadd.s32 $0xFFFFC000  }
0x4f: {  	[hbm4b:s22+s2] =	stream.linear.scatter [tilespmem:s8], [sflag:$0x8], $0x4000, $0x38;
	[tilespmem:$0x14A00] =	vst v63  }
0x50: {  	_ =	swait.ge [sflag:s16], $0x4000  }
0x51: {  	[sflag:s16] =	ssyncset.done $0x0  }
0x52: {  	s23 =	rddreg [dreg:$0xc];
	[sflag:s16] =	ssyncadd.s32 $0xFFFFC000  }
0x53: {  	[tilespmem:s2], [sflag:$0xB] =	stream.linear.gather [hbm4b:s23+s2], $0x200, $0x38;
	[tilespmem:$0x14A00] =	vst v63  }
0x54: {  	_ =	swait.ge [sflag:s31], $0x200  }
0x55: {  	[sflag:s31] =	ssyncset.done $0x0  }
0x56: {  	[sflag:s31] =	ssyncadd.s32 $0xFFFFFE00  }
0x57: {  	[tilespmem:s1], [sflag:$0x1] =	stream.indirect.gather [hbm4b:s3+s0], $0x20, s2, s0, $0xb8;
	[tilespmem:$0x14A00] =	vst v63  }
0x58: {  	_ =	swait.ge [sflag:s17], $0x4000  }
0x59: {  	[sflag:s17] =	ssyncset.done $0x0  }
0x5a: {  	s7 =	rddreg [dreg:$0xd];
	[sflag:s17] =	ssyncadd.s32 $0xFFFFC000  }
0x5b: {  	[hbm4b:s7+s2] =	stream.linear.scatter [tilespmem:s11], [sflag:$0x9], $0x4000, $0x38;
	[tilespmem:$0x14A00] =	vst v63  }
0x5c: {  	_ =	swait.ge [sflag:s18], $0x4000  }
0x5d: {  	[sflag:s18] =	ssyncset.done $0x0  }
0x5e: {  	s19 =	rddreg [dreg:$0xe];
	[sflag:s18] =	ssyncadd.s32 $0xFFFFC000  }
0x5f: {  	[tilespmem:s0], [sflag:$0xB] =	stream.linear.gather [hbm4b:s19+s2], $0x200, $0x38;
	[tilespmem:$0x14A00] =	vst v63  }
0x60: {  	_ =	swait.ge [sflag:s31], $0x200  }
0x61: {  	[sflag:s31] =	ssyncset.done $0x0  }
0x62: {  	[sflag:s31] =	ssyncadd.s32 $0xFFFFFE00  }
0x63: {  	[tilespmem:s5], [sflag:$0x2] =	stream.indirect.gather [hbm4b:s3+s0], $0x20, s0, s0, $0xb8;
	[tilespmem:$0x14A00] =	vst v63  }
0x64: {  	_ =	swait.ge [sflag:s24], $0x4000  }
0x65: {  	[sflag:s24] =	ssyncset.done $0x0  }
0x66: {  	s20 =	rddreg [dreg:$0xf];
	[sflag:s24] =	ssyncadd.s32 $0xFFFFC000  }
0x67: {  	[hbm4b:s20+s2] =	stream.linear.scatter [tilespmem:s14], [sflag:$0xA], $0x4000, $0x38;
	[tilespmem:$0x14A00] =	vst v63  }
0x68: {  	_ =	swait.ge [sflag:s25], $0x4000  }
0x69: {  	[sflag:s25] =	ssyncset.done $0x0  }
0x6a: {  	s22 =	rddreg [dreg:$0x17];
	[sflag:s25] =	ssyncadd.s32 $0xFFFFC000  }
0x6b: {  	[tilespmem:s6], [sflag:$0xB] =	stream.linear.gather [hbm4b:s22+s2], $0x200, $0x38;
	[tilespmem:$0x14A00] =	vst v63  }
0x6c: {  	_ =	swait.ge [sflag:s31], $0x200  }
0x6d: {  	[sflag:s31] =	ssyncset.done $0x0  }
0x6e: {  	[sflag:s31] =	ssyncadd.s32 $0xFFFFFE00  }
0x6f: {  	[tilespmem:s8], [sflag:$0x3] =	stream.indirect.gather [hbm4b:s3+s0], $0x20, s6, s0, $0xb8;
	[tilespmem:$0x14A00] =	vst v63  }
0x70: {  	_ =	swait.ge [sflag:s9], $0x4000  }
0x71: {  	s21 =	rddreg [dreg:$0x3]  }
0x72: {  	[sflag:s9] =	ssyncset.done $0x0;
	s21 =	sadd.s32 $0x0, s21  }
0x73: {  	[sflag:s9] =	ssyncadd.s32 $0xFFFFC000;
	s4 =	sadd.s32 $0x50000, s21  }
0x74: {  	[hbm4b:s4+s2] =	stream.linear.scatter [tilespmem:s1], [sflag:$0x6], $0x4000, $0x38;
	[tilespmem:$0x14A00] =	vst v63  }
0x75: {  	_ =	swait.ge [sflag:s26], $0x4000  }
0x76: {  	[sflag:s26] =	ssyncset.done $0x0  }
0x77: {  	s7 =	rddreg [dreg:$0x16];
	[sflag:s26] =	ssyncadd.s32 $0xFFFFC000  }
0x78: {  	[tilespmem:s10], [sflag:$0xB] =	stream.linear.gather [hbm4b:s7+s2], $0x200, $0x38;
	[tilespmem:$0x14A00] =	vst v63  }
0x79: {  	_ =	swait.ge [sflag:s31], $0x200  }
0x7a: {  	[sflag:s31] =	ssyncset.done $0x0  }
0x7b: {  	[sflag:s31] =	ssyncadd.s32 $0xFFFFFE00  }
0x7c: {  	[tilespmem:s11], [sflag:$0x4] =	stream.indirect.gather [hbm4b:s3+s0], $0x20, s10, s0, $0xb8;
	[tilespmem:$0x14A00] =	vst v63  }
0x7d: {  	_ =	swait.ge [sflag:s12], $0x4000  }
0x7e: {  	[sflag:s12] =	ssyncset.done $0x0  }
0x7f: {  	s23 =	sadd.s32 $0x60000, s21;
	[sflag:s12] =	ssyncadd.s32 $0xFFFFC000  }
0x80: {  	[hbm4b:s23+s2] =	stream.linear.scatter [tilespmem:s5], [sflag:$0x7], $0x4000, $0x38;
	[tilespmem:$0x14A00] =	vst v63  }
0x81: {  	_ =	swait.ge [sflag:s28], $0x4000  }
0x82: {  	[sflag:s28] =	ssyncset.done $0x0  }
0x83: {  	s20 =	rddreg [dreg:$0x15];
	[sflag:s28] =	ssyncadd.s32 $0xFFFFC000  }
0x84: {  	[tilespmem:s13], [sflag:$0xB] =	stream.linear.gather [hbm4b:s20+s2], $0x200, $0x38;
	[tilespmem:$0x14A00] =	vst v63  }
0x85: {  	_ =	swait.ge [sflag:s31], $0x200  }
0x86: {  	[sflag:s31] =	ssyncset.done $0x0  }
0x87: {  	[sflag:s31] =	ssyncadd.s32 $0xFFFFFE00  }
0x88: {  	[tilespmem:s14], [sflag:$0x5] =	stream.indirect.gather [hbm4b:s3+s0], $0x20, s13, s0, $0xb8;
	[tilespmem:$0x14A00] =	vst v63  }
0x89: {  	_ =	swait.ge [sflag:s15], $0x4000  }
0x8a: {  	[sflag:s15] =	ssyncset.done $0x0  }
0x8b: {  	s19 =	sadd.s32 $0x70000, s21;
	[sflag:s15] =	ssyncadd.s32 $0xFFFFC000  }
0x8c: {  	[hbm4b:s19+s2] =	stream.linear.scatter [tilespmem:s8], [sflag:$0x8], $0x4000, $0x38;
	[tilespmem:$0x14A00] =	vst v63  }
0x8d: {  	_ =	swait.ge [sflag:s16], $0x4000  }
0x8e: {  	[sflag:s16] =	ssyncset.done $0x0  }
0x8f: {  	s19 =	rddreg [dreg:$0x14];
	[sflag:s16] =	ssyncadd.s32 $0xFFFFC000  }
0x90: {  	[tilespmem:s2], [sflag:$0xB] =	stream.linear.gather [hbm4b:s19+s2], $0x200, $0x38;
	[tilespmem:$0x14A00] =	vst v63  }
0x91: {  	_ =	swait.ge [sflag:s31], $0x200  }
0x92: {  	[sflag:s31] =	ssyncset.done $0x0  }
0x93: {  	[sflag:s31] =	ssyncadd.s32 $0xFFFFFE00  }
0x94: {  	[tilespmem:s1], [sflag:$0x1] =	stream.indirect.gather [hbm4b:s3+s0], $0x20, s2, s0, $0xb8;
	[tilespmem:$0x14A00] =	vst v63  }
0x95: {  	_ =	swait.ge [sflag:s17], $0x4000  }
0x96: {  	[sflag:s17] =	ssyncset.done $0x0  }
0x97: {  	s23 =	sadd.s32 $0x80000, s21;
	[sflag:s17] =	ssyncadd.s32 $0xFFFFC000  }
0x98: {  	[hbm4b:s23+s2] =	stream.linear.scatter [tilespmem:s11], [sflag:$0x9], $0x4000, $0x38;
	[tilespmem:$0x14A00] =	vst v63  }
0x99: {  	_ =	swait.ge [sflag:s18], $0x4000  }
0x9a: {  	[sflag:s18] =	ssyncset.done $0x0  }
0x9b: {  	s23 =	rddreg [dreg:$0x13];
	[sflag:s18] =	ssyncadd.s32 $0xFFFFC000  }
0x9c: {  	[tilespmem:s0], [sflag:$0xB] =	stream.linear.gather [hbm4b:s23+s2], $0x200, $0x38;
	[tilespmem:$0x14A00] =	vst v63  }
0x9d: {  	_ =	swait.ge [sflag:s31], $0x200  }
0x9e: {  	[sflag:s31] =	ssyncset.done $0x0  }
0x9f: {  	s30 =	simm.s32 $0x50000;
	[sflag:s31] =	ssyncadd.s32 $0xFFFFFE00  }
0xa0: {  	[tilespmem:s5], [sflag:$0x2] =	stream.indirect.gather [hbm4b:s3+s0], $0x20, s0, s0, $0xb8;
	[tilespmem:$0x14A00] =	vst v63  }
0xa1: {  	s4 =	sadd.s32 $0x2800, s7;
	s7 =	sadd.s32 $0x2800, s22;
	_ =	swait.ge [sflag:s24], $0x4000  }
0xa2: {  	s22 =	sadd.s32 $0x90000, s21;
	s20 =	sadd.s32 $0x2800, s20;
	[sflag:s24] =	ssyncset.done $0x0  }
0xa3: {  	s19 =	sadd.s32 $0x2800, s19;
	s21 =	sadd.s32 $0x2800, s23;
	[sflag:s24] =	ssyncadd.s32 $0xFFFFC000  }
.LBB2_2:
0xa4: {  	[hbm4b:s22+s2] =	stream.linear.scatter [tilespmem:s14], [sflag:$0xA], $0x4000, $0x38;
	[tilespmem:$0x14A00] =	vst v63  }
0xa5: {  	_ =	swait.ge [sflag:s25], $0x4000  }
0xa6: {  	[sflag:s25] =	ssyncset.done $0x0  }
0xa7: {  	[sflag:s25] =	ssyncadd.s32 $0xFFFFC000  }
0xa8: {  	[tilespmem:s6], [sflag:$0xB] =	stream.linear.gather [hbm4b:s7+s2], $0x200, $0x38;
	[tilespmem:$0x14A00] =	vst v63  }
0xa9: {  	_ =	swait.ge [sflag:s31], $0x200  }
0xaa: {  	[sflag:s31] =	ssyncset.done $0x0  }
0xab: {  	[sflag:s31] =	ssyncadd.s32 $0xFFFFFE00  }
0xac: {  	[tilespmem:s8], [sflag:$0x3] =	stream.indirect.gather [hbm4b:s3+s0], $0x20, s6, s0, $0xb8;
	[tilespmem:$0x14A00] =	vst v63  }
0xad: {  	_ =	swait.ge [sflag:s9], $0x4000  }
0xae: {  	s22 =	smov.u32 s30;
	s23 =	rddreg [dreg:$0x3]  }
0xaf: {  	[sflag:s9] =	ssyncset.done $0x0;
	s22 =	sadd.s32 s22, s23  }
0xb0: {  	[sflag:s9] =	ssyncadd.s32 $0xFFFFC000;
	s23 =	sadd.s32 $0x50000, s22  }
0xb1: {  	[hbm4b:s23+s2] =	stream.linear.scatter [tilespmem:s1], [sflag:$0x6], $0x4000, $0x38;
	[tilespmem:$0x14A00] =	vst v63  }
0xb2: {  	_ =	swait.ge [sflag:s26], $0x4000  }
0xb3: {  	[sflag:s26] =	ssyncset.done $0x0  }
0xb4: {  	[sflag:s26] =	ssyncadd.s32 $0xFFFFC000  }
0xb5: {  	[tilespmem:s10], [sflag:$0xB] =	stream.linear.gather [hbm4b:s4+s2], $0x200, $0x38;
	[tilespmem:$0x14A00] =	vst v63  }
0xb6: {  	_ =	swait.ge [sflag:s31], $0x200  }
0xb7: {  	[sflag:s31] =	ssyncset.done $0x0  }
0xb8: {  	[sflag:s31] =	ssyncadd.s32 $0xFFFFFE00  }
0xb9: {  	[tilespmem:s11], [sflag:$0x4] =	stream.indirect.gather [hbm4b:s3+s0], $0x20, s10, s0, $0xb8;
	[tilespmem:$0x14A00] =	vst v63  }
0xba: {  	_ =	swait.ge [sflag:s12], $0x4000  }
0xbb: {  	[sflag:s12] =	ssyncset.done $0x0  }
0xbc: {  	s23 =	sadd.s32 $0x60000, s22;
	[sflag:s12] =	ssyncadd.s32 $0xFFFFC000  }
0xbd: {  	[hbm4b:s23+s2] =	stream.linear.scatter [tilespmem:s5], [sflag:$0x7], $0x4000, $0x38;
	[tilespmem:$0x14A00] =	vst v63  }
0xbe: {  	_ =	swait.ge [sflag:s28], $0x4000  }
0xbf: {  	[sflag:s28] =	ssyncset.done $0x0  }
0xc0: {  	[sflag:s28] =	ssyncadd.s32 $0xFFFFC000  }
0xc1: {  	[tilespmem:s13], [sflag:$0xB] =	stream.linear.gather [hbm4b:s20+s2], $0x200, $0x38;
	[tilespmem:$0x14A00] =	vst v63  }
0xc2: {  	_ =	swait.ge [sflag:s31], $0x200  }
0xc3: {  	[sflag:s31] =	ssyncset.done $0x0  }
0xc4: {  	[sflag:s31] =	ssyncadd.s32 $0xFFFFFE00  }
0xc5: {  	[tilespmem:s14], [sflag:$0x5] =	stream.indirect.gather [hbm4b:s3+s0], $0x20, s13, s0, $0xb8;
	[tilespmem:$0x14A00] =	vst v63  }
0xc6: {  	_ =	swait.ge [sflag:s15], $0x4000  }
0xc7: {  	[sflag:s15] =	ssyncset.done $0x0  }
0xc8: {  	s23 =	sadd.s32 $0x70000, s22;
	[sflag:s15] =	ssyncadd.s32 $0xFFFFC000  }
0xc9: {  	[hbm4b:s23+s2] =	stream.linear.scatter [tilespmem:s8], [sflag:$0x8], $0x4000, $0x38;
	[tilespmem:$0x14A00] =	vst v63  }
0xca: {  	_ =	swait.ge [sflag:s16], $0x4000  }
0xcb: {  	[sflag:s16] =	ssyncset.done $0x0  }
0xcc: {  	[sflag:s16] =	ssyncadd.s32 $0xFFFFC000  }
0xcd: {  	[tilespmem:s2], [sflag:$0xB] =	stream.linear.gather [hbm4b:s19+s2], $0x200, $0x38;
	[tilespmem:$0x14A00] =	vst v63  }
0xce: {  	_ =	swait.ge [sflag:s31], $0x200  }
0xcf: {  	[sflag:s31] =	ssyncset.done $0x0  }
0xd0: {  	[sflag:s31] =	ssyncadd.s32 $0xFFFFFE00  }
0xd1: {  	[tilespmem:s1], [sflag:$0x1] =	stream.indirect.gather [hbm4b:s3+s0], $0x20, s2, s0, $0xb8;
	[tilespmem:$0x14A00] =	vst v63  }
0xd2: {  	_ =	swait.ge [sflag:s17], $0x4000  }
0xd3: {  	[sflag:s17] =	ssyncset.done $0x0  }
0xd4: {  	s23 =	sadd.s32 $0x80000, s22;
	[sflag:s17] =	ssyncadd.s32 $0xFFFFC000  }
0xd5: {  	[hbm4b:s23+s2] =	stream.linear.scatter [tilespmem:s11], [sflag:$0x9], $0x4000, $0x38;
	[tilespmem:$0x14A00] =	vst v63  }
0xd6: {  	_ =	swait.ge [sflag:s18], $0x4000  }
0xd7: {  	[sflag:s18] =	ssyncset.done $0x0  }
0xd8: {  	[sflag:s18] =	ssyncadd.s32 $0xFFFFC000  }
0xd9: {  	[tilespmem:s0], [sflag:$0xB] =	stream.linear.gather [hbm4b:s21+s2], $0x200, $0x38;
	[tilespmem:$0x14A00] =	vst v63  }
0xda: {  	_ =	swait.ge [sflag:s31], $0x200  }
0xdb: {  	p0 =	sne.s32 s30, $0x230000;
	[sflag:s31] =	ssyncset.done $0x0  }
.Ltmp0:
0xdc: {  	s30 =	sadd.s32 $0x50000, s30;
	[sflag:s31] =	ssyncadd.s32 $0xFFFFFE00;
	(pc) =	sbr.rel @p0 .LBB2_2-.Ltmp0, $4  }
0xdd: {  	[tilespmem:s5], [sflag:$0x2] =	stream.indirect.gather [hbm4b:s3+s0], $0x20, s0, s0, $0xb8;
	[tilespmem:$0x14A00] =	vst v63  }
0xde: {  	s7 =	sadd.s32 $0x2800, s7;
	s4 =	sadd.s32 $0x2800, s4;
	_ =	swait.ge [sflag:s24], $0x4000  }
0xdf: {  	s20 =	sadd.s32 $0x2800, s20;
	s22 =	sadd.s32 $0x90000, s22;
	[sflag:s24] =	ssyncset.done $0x0  }
0xe0: {  	s19 =	sadd.s32 $0x2800, s19;
	s21 =	sadd.s32 $0x2800, s21;
	[sflag:s24] =	ssyncadd.s32 $0xFFFFC000  }
0xe1: {  	[hbm4b:s22+s2] =	stream.linear.scatter [tilespmem:s14], [sflag:$0xA], $0x4000, $0x38;
	[tilespmem:$0x14A00] =	vst v63  }
0xe2: {  	_ =	swait.ge [sflag:s25], $0x4000  }
0xe3: {  	[sflag:s25] =	ssyncset.done $0x0  }
0xe4: {  	s4 =	rddreg [dreg:$0x10];
	[sflag:s25] =	ssyncadd.s32 $0xFFFFC000  }
0xe5: {  	[tilespmem:s6], [sflag:$0xB] =	stream.linear.gather [hbm4b:s4+s2], $0x200, $0x38;
	[tilespmem:$0x14A00] =	vst v63  }
0xe6: {  	_ =	swait.ge [sflag:s31], $0x200  }
0xe7: {  	[sflag:s31] =	ssyncset.done $0x0  }
0xe8: {  	[sflag:s31] =	ssyncadd.s32 $0xFFFFFE00  }
0xe9: {  	[tilespmem:s8], [sflag:$0x3] =	stream.indirect.gather [hbm4b:s3+s0], $0x20, s6, s0, $0xb8;
	[tilespmem:$0x14A00] =	vst v63  }
0xea: {  	_ =	swait.ge [sflag:s9], $0x4000  }
0xeb: {  	[sflag:s9] =	ssyncset.done $0x0  }
0xec: {  	s30 =	rddreg [dreg:$0x11];
	[sflag:s9] =	ssyncadd.s32 $0xFFFFC000  }
0xed: {  	[hbm4b:s30+s2] =	stream.linear.scatter [tilespmem:s1], [sflag:$0x6], $0x4000, $0x38;
	[tilespmem:$0x14A00] =	vst v63  }
0xee: {  	_ =	swait.ge [sflag:s26], $0x4000  }
0xef: {  	[sflag:s26] =	ssyncset.done $0x0  }
0xf0: {  	s7 =	rddreg [dreg:$0x12];
	[sflag:s26] =	ssyncadd.s32 $0xFFFFC000  }
0xf1: {  	[tilespmem:s10], [sflag:$0xB] =	stream.linear.gather [hbm4b:s7+s2], $0x200, $0x38;
	[tilespmem:$0x14A00] =	vst v63  }
0xf2: {  	_ =	swait.ge [sflag:s31], $0x200  }
0xf3: {  	[sflag:s31] =	ssyncset.done $0x0  }
0xf4: {  	[sflag:s31] =	ssyncadd.s32 $0xFFFFFE00  }
0xf5: {  	[tilespmem:s11], [sflag:$0x4] =	stream.indirect.gather [hbm4b:s3+s0], $0x20, s10, s0, $0xb8;
	[tilespmem:$0x14A00] =	vst v63  }
0xf6: {  	_ =	swait.ge [sflag:s12], $0x4000  }
0xf7: {  	[sflag:s12] =	ssyncset.done $0x0  }
0xf8: {  	s19 =	rddreg [dreg:$0x18];
	[sflag:s12] =	ssyncadd.s32 $0xFFFFC000  }
0xf9: {  	[hbm4b:s19+s2] =	stream.linear.scatter [tilespmem:s5], [sflag:$0x7], $0x4000, $0x38;
	[tilespmem:$0x14A00] =	vst v63  }
0xfa: {  	_ =	swait.ge [sflag:s28], $0x4000  }
0xfb: {  	[sflag:s28] =	ssyncset.done $0x0  }
0xfc: {  	s20 =	rddreg [dreg:$0x1a];
	[sflag:s28] =	ssyncadd.s32 $0xFFFFC000  }
0xfd: {  	[tilespmem:s13], [sflag:$0xB] =	stream.linear.gather [hbm4b:s20+s2], $0x200, $0x38;
	[tilespmem:$0x14A00] =	vst v63  }
0xfe: {  	_ =	swait.ge [sflag:s31], $0x200  }
0xff: {  	[sflag:s31] =	ssyncset.done $0x0  }
0x100: {  	[sflag:s31] =	ssyncadd.s32 $0xFFFFFE00  }
0x101: {  	[tilespmem:s14], [sflag:$0x5] =	stream.indirect.gather [hbm4b:s3+s0], $0x20, s13, s0, $0xb8;
	[tilespmem:$0x14A00] =	vst v63  }
0x102: {  	_ =	swait.ge [sflag:s15], $0x4000  }
0x103: {  	[sflag:s15] =	ssyncset.done $0x0  }
0x104: {  	s21 =	rddreg [dreg:$0x1b];
	[sflag:s15] =	ssyncadd.s32 $0xFFFFC000  }
0x105: {  	[hbm4b:s21+s2] =	stream.linear.scatter [tilespmem:s8], [sflag:$0x8], $0x4000, $0x38;
	[tilespmem:$0x14A00] =	vst v63  }
0x106: {  	_ =	swait.ge [sflag:s17], $0x4000  }
0x107: {  	[sflag:s17] =	ssyncset.done $0x0  }
0x108: {  	s22 =	rddreg [dreg:$0x1c];
	[sflag:s17] =	ssyncadd.s32 $0xFFFFC000  }
0x109: {  	[hbm4b:s22+s2] =	stream.linear.scatter [tilespmem:s11], [sflag:$0x9], $0x4000, $0x38;
	[tilespmem:$0x14A00] =	vst v63  }
0x10a: {  	_ =	swait.ge [sflag:s24], $0x4000  }
0x10b: {  	[sflag:s24] =	ssyncset.done $0x0  }
0x10c: {  	s23 =	rddreg [dreg:$0x1d];
	[sflag:s24] =	ssyncadd.s32 $0xFFFFC000  }
0x10d: {  	[hbm4b:s23+s2] =	stream.linear.scatter [tilespmem:s14], [sflag:$0xA], $0x4000, $0x38;
	[tilespmem:$0x14A00] =	vst v63  }
0x10e: {  	_ =	swait.ge [sflag:s16], $0x4000  }
0x10f: {  	[sflag:s16] =	ssyncset.done $0x0  }
0x110: {  	[sflag:s16] =	ssyncadd.s32 $0xFFFFC000  }
0x111: {  	_ =	swait.ge [sflag:s18], $0x4000  }
0x112: {  	[sflag:s18] =	ssyncset.done $0x0  }
0x113: {  	[sflag:s18] =	ssyncadd.s32 $0xFFFFC000  }
0x114: {  	_ =	swait.ge [sflag:s25], $0x4000  }
0x115: {  	[sflag:s25] =	ssyncset.done $0x0  }
0x116: {  	[sflag:s25] =	ssyncadd.s32 $0xFFFFC000  }
0x117: {  	_ =	swait.ge [sflag:s26], $0x4000  }
0x118: {  	[sflag:s26] =	ssyncset.done $0x0  }
0x119: {  	[sflag:s26] =	ssyncadd.s32 $0xFFFFC000  }
0x11a: {  	_ =	swait.ge [sflag:s28], $0x4000  }
0x11b: {  	s29 =	sadd.s32 $0x1, s29;
	s30 =	rddreg [dreg:$0x19]  }
0x11c: {  	p0 =	sne.s32 s29, s30  }
.Ltmp1:
0x11d: {  	_ = 	snop;
	(pc) =	sbr.rel @p0 .LBB2_1-.Ltmp1, $3  }
0x11e: {  	_ =	sdelay $0x1  }
0x11f: {  	[sflag:s28] =	ssyncset.done $0x0  }
0x120: {  	[sflag:s28] =	ssyncadd.s32 $0xFFFFC000  }
0x121: {  	_ =	sfence.sel $0x180000  }
0x122: {  	[bflag:$0x0] =	sbarrier.arrive $0xFFFF  }
0x123: {  	_ =	strace $0x90000047  }
0x124: {  	s0 =	stileid.u32;
	[bflag:$0x2] =	sbarrier.arrive $0xFFFF  }
0x125: {  	p0 =	sne.s32 s0, $0x0;
	s0 =	rddreg [dreg:$0x2]  }
0x126: {  	s0 =	sadd.s32 @!p0 $0x100000, s0  }
0x127: {  	[sflag:s0] =	ssyncadd.tile.s32 @!p0 $0x1;
	_ =	shalt  }
.Lfunc_end2:
_tile_overlayer_lowered:
.L_overlay_start_2:
0x128: {  	(tag) =	ssettag $0x2  }
0x129: {  	s0 =	rddreg [dreg:$0x0];
	s2 =	stileid.u32  }
0x12a: {  	s1 =	rddreg [dreg:$0x1];
	p0 =	sne.s32 s2, $0x0  }
0x12b: {  	s3 =	rddreg [dreg:$0x2];
	[bflag:$0x3] =	sbarrier.arrive $0xFFFF;
	s2 =	simm.s32 @!p0 $0x1C0B  }
0x12c: {  	[timem:s3], [sflag:s2] =	dma.local @!p0 [hbm:s0], s1  }
0x12d: {  	s0 =	simm.s32 @!p0 $0xB  }
0x12e: {  	_ =	swait.ge @!p0 [sflag:s0], s1  }
0x12f: {  	s1 =	ssub.s32 @!p0 $0x0, s1;
	[sflag:s0] =	ssyncset.done @!p0 $0x0  }
0x130: {  	[sflag:s0] =	ssyncadd.s32 @!p0 s1  }
0x131: {  	[bflag:$0x3] =	sbarrier.arrive $0xFFFF  }
0x132: {  	_ =	shalt  }

// kernel: sparse-core-data-format-call.cloned.1.call-start
scs
called_computation_lowered:
.L_overlay_start_0:
0x0: {  	s2 =	sld [smem:$0x3FD9]  }
0x1: {  	s3 =	sld [smem:$0x3FFE];
	_ =	sdelay $0x1  }
0x2: {  	s1 =	srdreg.scid  }
0x3: {  	s0 =	sand.u32 $0x1, s1  }
0x4: {  	s18 =	sshll.u32 s0, $0xA;
	s2 =	sadd.s32 s3, s2  }
0x5: {  	s2 =	sadd.s32 s2, s18  }
0x6: {  	[smem:$0x3FC6] =	sst s2  }
0x7: {  	_ = 	snop  }
0x8: {  	s2 =	sld [smem:$0x3FD0];
	(tm) =	ssettm $0x1  }
0x9: {  	s19 =	sld [smem:$0x3FFB];
	_ =	sdelay $0x3  }
0xa: {  	_ =	strace s19  }
0xb: {  	s3 =	sld [smem:$0x3FFC];
	_ =	sdelay $0x3  }
0xc: {  	_ =	strace s3  }
0xd: {  	s3 =	sld [smem:$0x3FFD];
	_ =	sdelay $0x3  }
0xe: {  	_ =	strace s3  }
0xf: {  	_ =	strace $0x8FFFFFFF  }
0x10: {  	s20 =	sld [smem:$0x3FDB];
	_ =	sdelay $0x1  }
0x11: {  	s4 =	simm.s32 $_scs_section_size  }
0x12: {  	s5 =	simm.s32 $_size__tile_overlayer_lowered;
	s6 =	simm.s32 $_tile_overlayer_lowered  }
0x13: {  	s23 =	simm.s32 $0x1BFF;
	s22 =	sshll.u32 s6, $0x1;
	s3 =	sadd.s32 s4, s20  }
0x14: {  	s7 =	simm.s32 $0x0;
	s21 =	sshll.u32 s5, $0x1;
	s5 =	sadd.s32 s22, s3  }
0x15: {  	[timem:s7], [sflag:s23] =	dma.local [hbm:s5], s21  }
0x16: {  	_ =	swait.ge [sflag:s23], s21  }
0x17: {  	s4 =	ssub.s32 $0x0, s21;
	[sflag:s23] =	ssyncset.done $0x0  }
0x18: {  	[sflag:s23] =	ssyncadd.s32 s4;
	_ =	sdelay $0x1  }
0x19: {  	s24 =	simm.s32 $0x1B8B  }
0x1a: {  	_ =	swait.ge [sflag:s24], $0x1  }
0x1b: {  	[sflag:s24] =	ssyncset.done $0x0  }
0x1c: {  	s26 =	simm.s32 $0x1B8E;
	s25 =	sld [smem:$0x3FFE];
	[sflag:s24] =	ssyncadd.s32 $0xFFFFFFFF  }
0x1d: {  	s27 =	simm.s32 $execute0_lowered;
	[smem:$0x3FD2] =	sst s26  }
0x1e: {  	s5 =	sshll.u32 s27, $0x1;
	_ =	strace $0x80000049;
	[dreg:$0x1] =	wrdreg $0xFFFFFFFF  }
0x1f: {  	s28 =	simm.s32 $_size_execute0_lowered;
	s3 =	sadd.s32 s3, s5;
	[dreg:$0x0] =	wrdreg $0x0  }
0x20: {  	s5 =	sshll.u32 s28, $0x1;
	[dreg:$0x2] =	wrdreg s3  }
0x21: {  	[dreg:$0x3] =	wrdreg s5  }
0x22: {  	[dreg:$0x4] =	wrdreg $0xC0  }
0x23: {  	_ =	task [dreg:s7], $0x5FFFF  }
0x24: {  	[dreg:$0x1] =	wrdreg $0xFFFFFFFF  }
0x25: {  	[dreg:$0x0] =	wrdreg $0x60  }
0x26: {  	[dreg:$0x2] =	wrdreg s25  }
0x27: {  	[dreg:$0x3] =	wrdreg s2  }
0x28: {  	[dreg:$0x4] =	wrdreg $0x9  }
0x29: {  	_ =	task.clear_ibuf [dreg:s7], $0x5FFFF;
	_ =	strace $0x90000049  }
0x2a: {  	s29 =	simm.s32 $0x9;
	_ =	strace $0x8000004B  }
0x2b: {  	_ =	swait.ge [sflag:s29], $0x1  }
0x2c: {  	[sflag:s29] =	ssyncadd.s32 $0xFFFFFFFF  }
0x2d: {  	_ =	strace $0x9000004B  }
0x2e: {  	_ =	sfence  }
0x2f: {  	s30 =	sld [smem:$0x0];
	_ =	sdelay $0x2  }
0x30: {  	s31 =	sshll.u32 s1, $0xD;
	s1 =	sshrl.u32 s1, $0x2  }
0x31: {  	s3 =	sand.u32 $0x4000, s31;
	s1 =	sadd.s32 s1, s30  }
0x32: {  	s0 =	sor.u32 s3, s0;
	s1 =	sshll.u32 s1, $0x11  }
0x33: {  	s0 =	sor.u32 s1, s0  }
0x34: {  	s0 =	sadd.s32 $0x8F2B, s0  }
0x35: {  	[sflag:s0] =	ssyncadd.remote.s32 $0x1  }
0x36: {  	_ =	sfence.sel $0xFFFF  }
0x37: {  	[dreg:$0x0] =	wrdreg $0xFFFFFFFF;
	(pc) =	sbr.abs _section_cstart, $3  }
0x38: {  	[dreg:$0x1] =	wrdreg $0xFFFFFFFF  }
0x39: {  	_ =	task.clear_ibuf [dreg:s7], $0x2FFFF;
	_ =	strace $0x9FFFFFFF  }
0x3a: {  	(tm) =	ssettm $0x7FFFFFFF  }
0x3b: {  	_ =	shalt  }
tec
execute0_lowered:
.L_overlay_start_1:
0x0: {  	(tag) =	ssettag $0x1  }
0x1: {  	s0 =	srdreg.scid  }
0x2: {  	s1 =	sshll.u32 s0, $0x4  }
0x3: {  	s0 =	stileid.u32;
	s1 =	sand.u32 $0x10, s1  }
0x4: {  	s7 =	rddreg [dreg:$0x0];
	s1 =	sor.u32 s0, s1  }
0x5: {  	s4 =	simm.s32 $0x1;
	s8 =	simm.s32 $0x2;
	s2 =	sshll.u32 s1, $0x7  }
0x6: {  	s13 =	simm.s32 $0x0;
	s9 =	simm.s32 $0x20000;
	s1 =	ssub.s32 $0x4000, s2  }
0x7: {  	s14 =	simm.s32 $0x0;
	s11 =	simm.s32 $0x0;
	s3 =	sand.u32 $0xF80, s1  }
0x8: {  	s12 =	simm.s32 $0x0;
	s5 =	sshrl.u32 s1, $0xC;
	p0 =	sne.s32 s3, $0x0  }
.Ltmp0:
0x9: {  	s1 =	rddreg [dreg:$0x2];
	s4 =	simm.s32 @!p0 $0x0;
	(pc) =	sbr.rel .LBB1_1-.Ltmp0, $4  }
0xa: {  	s6 =	sadd.s32 $0xA00, s7;
	s3 =	rddreg [dreg:$0x1];
	s5 =	sadd.s32 s4, s5  }
0xb: {  	_ =	strace $0x8000004A;
	s4 =	simm.s32 $0x1;
	s5 =	smul.u32 $0x19, s5  }
0xc: {  	s7 =	sadd.s32 $0x40A00, s7;
	s10 =	smov.u32 s2;
	[sflag:s4] =	ssyncpa.u1 $0x0  }
0xd: {  	p0 =	por $0x0, $0x0;
	[sflag:s8] =	ssyncpa.u1 $0x0;
	s8 =	sadd.s32 $0x1, s5  }
.LBB1_7:
0xe: {  	s15 =	sadd.s32 $0x1000, s10  }
0xf: {  	s13 =	sadd.s32 $0x2, s11;
	s17 =	smov.u32 s11;
	p2 =	sgt.s32 s15, $0x3FFF  }
0x10: {  	s17 =	smov.u32 @p2 s13  }
0x11: {  	s15 =	smov.u32 @p2 s2;
	p2 =	sgt.s32 s17, $0x31  }
0x12: {  	s17 =	simm.s32 @p2 $0x0;
	p2 =	sne.s32 s12, s8  }
.Ltmp1:
0x13: {  	p1 =	slt.u32 s12, $0x2;
	(pc) =	sbr.rel @!p2 .LBB1_8-.Ltmp1, $4  }
0x14: {  	s16 =	simm.s32 @!p1 $0x2  }
0x15: {  	s14 =	smov.u32 s11;
	p0 =	por !p0, !p0;
	_ =	swait.ge @!p1 [sflag:s16], $0x2000  }
0x16: {  	s13 =	smov.u32 s10;
	[sflag:s16] =	ssyncset.done @!p1 $0x0;
	s10 =	smov.u32 s15  }
0x17: {  	s12 =	sadd.s32 $0x1, s12;
	[sflag:s16] =	ssyncadd.s32 @!p1 $0xFFFFE000;
	s11 =	smov.u32 s17  }
.LBB1_1:
0x18: {  	p1 =	sge.u32 s12, s5  }
0x19: {  	s15 =	sxor.u32 @!p1 $0xFFFFFFFF, s12;
	s16 =	sshll.u32 @!p1 s11, $0x12  }
0x1a: {  	s17 =	sshll.u32 @!p1 s10, $0x4;
	s19 =	simm.s32 @!p1 $0x20;
	s20 =	simm.s32 @!p1 $0x80  }
0x1b: {  	s15 =	sshll.u32 @!p1 s15, $0xD;
	s17 =	sand.u32 @!p1 $0x3FFF0, s17;
	s18 =	sadd.s32 @!p1 s6, s16  }
0x1c: {  	s16 =	sadd.s32 @!p1 s16, s7;
	s15 =	sand.u32 @!p1 $0x2000, s15;
	s18 =	sadd.s32 @!p1 s17, s18  }
0x1d: {  	[tilespmem:s15], [sflag:$0x1] =	stream.strided.gather @!p1 [hbm4b:s18+s19], $0x1000, s20, s19, $0x38;
	[tilespmem:$0x8080] =	vst v63  }
0x1e: {  	s31 =	sadd.s32 $0xFFFFFFFF, s12;
	s16 =	sadd.s32 @!p1 s17, s16;
	s15 =	sor.u32 @!p1 $0x1000, s15  }
0x1f: {  	[tilespmem:s15], [sflag:$0x1] =	stream.strided.gather @!p1 [hbm4b:s16+s19], $0x1000, s20, s19, $0x38;
	[tilespmem:$0x8080] =	vst v63  }
0x20: {  	p1 =	sge.u32 s31, s5  }
.Ltmp2:
0x21: {  	_ = 	snop;
	(pc) =	sbr.rel @p1 .LBB1_7-.Ltmp2, $1  }
0x22: {  	_ =	sdelay $0x3  }
0x23: {  	s15 =	simm.s32 $0x1;
	s17 =	sand.u32 $0x1, s12  }
0x24: {  	_ =	swait.ge [sflag:s4], $0x2000;
	s15 =	simm.s32 @!p0 $0x0;
	s17 =	smul.u32 $0x8100, s17  }
0x25: {  	p2 =	por $0x1, $0x1;
	[sflag:s4] =	ssyncset.done $0x0;
	s16 =	smul.u32 $0x8100, s15  }
0x26: {  	s18 =	sshll.u32 s15, $0xF;
	[sflag:s4] =	ssyncadd.s32 $0xFFFFE000;
	s30 =	sshrl.u32 s17, $0x2  }
0x27: {  	s31 =	sshrl.u32 s18, $0x2;
	s18 =	simm.s32 $0x0;
	s16 =	sshrl.u32 s16, $0x2  }
0x28: {  	s15 =	sor.u32 $0x4000, s30;
	s17 =	sadd.s32 $0x10, s31;
	s16 =	sor.u32 $0x4000, s16  }
.LBB1_3:
0x29: {  	s19 =	sshll.u32 s18, $0xC  }
0x2a: {  	s19 =	sand.u32 $0x3FFFF000, s19  }
0x2b: {  	s20 =	sadd.s32 s19, s17  }
0x2c: {  	s31 =	smul.u32 $0x4080, s18;
	v1 =	vld [tilespmem:s20+$0x0]  }
0x2d: {  	v0 =	vld [tilespmem:s20+$0xFFFFFFF0]  }
0x2e: {  	s18 =	sshra.s32 s31, $0x2  }
0x2f: {  	s18 =	sadd.s32 s18, s16  }
0x30: {  	s21 =	sadd.s32 $0x0, s18  }
0x31: {  	p1 =	por p2, p2;
	s19 =	simm.s32 $0x4;
	s20 =	sadd.s32 $0x20, s20;
	[tilespmem:s21+$0x810 ss:$0x81] =	vst.msk $0xffff, v1  }
.LBB1_4:
0x32: {  	v1 =	vld [tilespmem:s20+$0x0];
	p2 =	sne.s32 s19, $0x1FC;
	[tilespmem:s21+$0x0 ss:$0x81] =	vst.msk $0xffff, v0;
	s21 =	smov.u32 s19;
	s19 =	sadd.s32 $0x4, s19  }
.Ltmp3:
0x33: {  	v0 =	vld [tilespmem:s20+$0xFFFFFFF0];
	(pc) =	sbr.rel @p2 .LBB1_4-.Ltmp3, $4  }
0x34: {  	_ = 	snop  }
0x35: {  	s21 =	sshra.s32 s21, $0x2  }
0x36: {  	s21 =	sadd.s32 s21, s18  }
0x37: {  	s20 =	sadd.s32 $0x20, s20;
	[tilespmem:s21+$0x810 ss:$0x81] =	vst.msk $0xffff, v1  }
.Ltmp4:
0x38: {  	(pc) =	sbr.rel @p1 .LBB1_3-.Ltmp4, $2  }
0x39: {  	_ =	sdelay $0x2  }
0x3a: {  	[tilespmem:s21+$0x0 ss:$0x81] =	vst.msk $0xffff, v0;
	s18 =	simm.s32 $0x1;
	p2 =	por $0x0, $0x0  }
0x3b: {  	s16 =	sshll.u32 s13, $0x3;
	s17 =	sand.u32 $0x78, s13;
	s14 =	sshll.u32 s14, $0x10  }
.Ltmp5:
0x3c: {  	s30 =	sand.u32 $0xF800, s13;
	s16 =	sand.u32 $0x3C00, s16;
	(pc) =	sbr.rel .LBB1_7-.Ltmp5, $4  }
0x3d: {  	s31 =	sand.u32 $0x7, s13;
	s14 =	sadd.s32 s3, s14;
	s16 =	sor.u32 s17, s16  }
0x3e: {  	s13 =	sshll.u32 s31, $0x12;
	s14 =	sadd.s32 s30, s14;
	s16 =	sshrl.u32 s16, $0x3  }
0x3f: {  	s13 =	sor.u32 $0x400, s13;
	s14 =	sadd.s32 s16, s14  }
0x40: {  	[hbm4b:s14+s13] =	stream.strided.scatter [tilespmem:s15], [sflag:$0x2], $0x2000, s9, s13, $0x20;
	[tilespmem:$0x8080] =	vst v63  }
.LBB1_8:
0x41: {  	_ =	sfence.sel $0x180000  }
0x42: {  	s2 =	simm.s32 $0x1;
	[bflag:$0x0] =	sbarrier.arrive $0xFFFF  }
0x43: {  	s31 =	simm.s32 $0x2;
	[sflag:s2] =	ssyncpa.u1 $0x1  }
0x44: {  	[sflag:s31] =	ssyncpa.u1 $0x1  }
0x45: {  	p0 =	sne.s32 s0, $0x0;
	_ =	strace $0x9000004A  }
0x46: {  	s0 =	sadd.s32 @!p0 $0x100000, s1;
	[bflag:$0x2] =	sbarrier.arrive $0xFFFF  }
0x47: {  	[sflag:s0] =	ssyncadd.tile.s32 @!p0 $0x1;
	_ =	shalt  }
.Lfunc_end1:
_tile_overlayer_lowered:
.L_overlay_start_2:
0x48: {  	(tag) =	ssettag $0x2  }
0x49: {  	s0 =	rddreg [dreg:$0x0];
	s2 =	stileid.u32  }
0x4a: {  	s1 =	rddreg [dreg:$0x1];
	p0 =	sne.s32 s2, $0x0  }
0x4b: {  	s3 =	rddreg [dreg:$0x2];
	[bflag:$0x3] =	sbarrier.arrive $0xFFFF;
	s2 =	simm.s32 @!p0 $0x1C01  }
0x4c: {  	[timem:s3], [sflag:s2] =	dma.local @!p0 [hbm:s0], s1  }
0x4d: {  	s0 =	simm.s32 @!p0 $0x1  }
0x4e: {  	_ =	swait.ge @!p0 [sflag:s0], s1  }
0x4f: {  	s1 =	ssub.s32 @!p0 $0x0, s1;
	[sflag:s0] =	ssyncset.done @!p0 $0x0  }
0x50: {  	[sflag:s0] =	ssyncadd.s32 @!p0 s1  }
0x51: {  	[bflag:$0x3] =	sbarrier.arrive $0xFFFF  }
0x52: {  	_ =	shalt  }

</sc_bundles>
